<compile_context>
chip_gen: v7x
topology: tpu7x:2x2x1
jax: 0.10.2.dev20260603
libtpu: 0.0.44.dev20260713+nightly
codegen_flags: <defaults>
</compile_context>

<pallas_src>
import functools

import numpy as np
import jax
import jax.numpy as jnp
from jax import lax
from jax.experimental import pallas as pl
from jax.experimental.pallas import tpu as pltpu
from jax.experimental.pallas import tpu_sc as plsc

D_MODEL = 768
MAX_LEN = 8192
NUM_CORES = 2
NUM_SUBCORES = 16
NUM_TILES = NUM_CORES * NUM_SUBCORES
CHUNK = 16
N_SEG = 1


def _pos_encoding(max_len, d_model):
    pos = np.arange(max_len, dtype=np.float32)[:, None]
    i = np.arange(0, d_model, 2, dtype=np.float32)
    div = np.power(10000.0, i / d_model)
    enc = np.zeros((max_len, d_model), dtype=np.float32)
    enc[:, 0::2] = np.sin(pos / div)
    enc[:, 1::2] = np.cos(pos / div)
    return enc


_POS_ENC_NP = _pos_encoding(MAX_LEN, D_MODEL)


N_BUF = 8
AHEAD = 4


def _sc_gather(idx_seg, table, n_rows, d):
    rows_per_tile = n_rows // NUM_TILES
    n_chunks = rows_per_tile // CHUNK

    mesh = plsc.VectorSubcoreMesh(core_axis_name="c", subcore_axis_name="s")

    @functools.partial(
        pl.kernel,
        out_type=jax.ShapeDtypeStruct((n_rows, d), jnp.float32),
        mesh=mesh,
        scratch_types=(
            [pltpu.VMEM((rows_per_tile,), jnp.int32)]
            + [pltpu.VMEM((CHUNK, d), jnp.float32) for _ in range(N_BUF)]
            + [pltpu.SemaphoreType.DMA] * (1 + 2 * N_BUF)
        ),
    )
    def gather_kernel(idx_hbm, table_hbm, out_hbm, idx_v, *rest):
        gbufs = rest[:N_BUF]
        isem = rest[N_BUF]
        gsems = rest[N_BUF + 1:N_BUF + 1 + N_BUF]
        wsems = rest[N_BUF + 1 + N_BUF:]

        wid = lax.axis_index("c") * NUM_SUBCORES + lax.axis_index("s")
        base = wid * rows_per_tile
        idx_cp = pltpu.make_async_copy(
            idx_hbm.at[pl.ds(base, rows_per_tile)], idx_v, isem
        )
        idx_cp.start()
        idx_cp.wait()

        def gather(t):
            b = t % N_BUF
            idx_vec = idx_v[pl.ds(t * CHUNK, CHUNK)]
            return pltpu.make_async_copy(
                table_hbm.at[idx_vec],
                gbufs[b], gsems[b],
            )

        def writeback(t):
            b = t % N_BUF
            return pltpu.make_async_copy(
                gbufs[b], out_hbm.at[pl.ds(base + t * CHUNK, CHUNK)],
                wsems[b],
            )

        for t in range(AHEAD):
            gather(t).start()
        for t in range(n_chunks):
            gather(t).wait()
            writeback(t).start()
            if t >= N_BUF - AHEAD:
                writeback(t - (N_BUF - AHEAD)).wait()
            if t + AHEAD < n_chunks:
                gather(t + AHEAD).start()
        for t in range(n_chunks - (N_BUF - AHEAD), n_chunks):
            writeback(t).wait()

    return gather_kernel(idx_seg, table)


def _tc_add_pos(tok_seg, pos_enc, n_rows, seq_len, d):
    block_rows = 2048
    pos_blocks = seq_len // block_rows

    def add_kernel(tok_ref, pos_ref, out_ref):
        i = pl.program_id(0) % pos_blocks
        out_ref[...] = tok_ref[...] + pos_ref[pl.ds(i * block_rows,
                                                    block_rows), :]

    return pl.pallas_call(
        add_kernel,
        out_shape=jax.ShapeDtypeStruct((n_rows, d), jnp.float32),
        grid=(n_rows // block_rows,),
        in_specs=[
            pl.BlockSpec((block_rows, d), lambda i: (i, 0)),
            pl.BlockSpec((seq_len, d), lambda i: (0, 0)),
        ],
        out_specs=pl.BlockSpec((block_rows, d), lambda i: (i, 0)),
        compiler_params=pltpu.CompilerParams(
            dimension_semantics=("parallel",),
        ),
    )(tok_seg, pos_enc)


def kernel(x, table):
    batch, seq_len = x.shape
    d = table.shape[1]
    pos_enc = jnp.asarray(_POS_ENC_NP[:seq_len])

    idx_flat = x.reshape(batch * seq_len)
    seg_rows = batch * seq_len // N_SEG

    toks = []
    for s in range(N_SEG):
        idx_seg = lax.slice(idx_flat, (s * seg_rows,), ((s + 1) * seg_rows,))
        toks.append(_sc_gather(idx_seg, table, seg_rows, d))
    outs = [_tc_add_pos(tok, pos_enc, seg_rows, seq_len, d) for tok in toks]
    out = jnp.concatenate(outs, axis=0)
    return out.reshape(batch, seq_len, d)

# --- scband reference (transcript-rebuilt; emitter-appended) ---
"""Pipeline reference for scband-embedding-39900246180147 (READ-ONLY COPY).

The authoritative reference and input builder live on the scoring server;
editing this copy changes nothing except your own understanding.
"""

import jax, jax.numpy as jnp
import numpy as np

VOCAB = 100000
D_MODEL = 768
MAX_LEN = 8192
BATCH = 4
SEQ_LEN = 4096


def _pos_encoding(max_len, d_model):
    # Classic sinusoidal positional encoding (constant buffer, not learned).
    pos = np.arange(max_len, dtype=np.float32)[:, None]
    i = np.arange(0, d_model, 2, dtype=np.float32)
    div = np.power(10000.0, i / d_model)
    enc = np.zeros((max_len, d_model), dtype=np.float32)
    enc[:, 0::2] = np.sin(pos / div)
    enc[:, 1::2] = np.cos(pos / div)
    return jnp.asarray(enc)


_POS_ENC = _pos_encoding(MAX_LEN, D_MODEL)


def setup_inputs(seed: int = 0) -> dict:
    key = jax.random.key(seed)
    k1, k2 = jax.random.split(key)
    x = jax.random.randint(k1, (BATCH, SEQ_LEN), 0, VOCAB, dtype=jnp.int32)
    # Learned token embedding table (nn.Embedding weight)
    table = jax.random.normal(k2, (VOCAB, D_MODEL), dtype=jnp.float32) * 0.02
    return {"x": x, "table": table}


def reference(x, table):
    # tok_emb = self.tok_emb(x): embedding gather
    tok_emb = jnp.take(table, x, axis=0)  # [B, S, d_model]
    # pos_enc = self.pos_enc(x): sinusoidal encoding sliced to seq_len
    seq_len = x.shape[1]
    pos_enc = _POS_ENC[:seq_len, :]  # [S, d_model]
    # dropout is identity in eval mode
    return tok_emb + pos_enc[None, :, :]

if __name__ == "__main__":
    import jax
    _d = setup_inputs()
    print(jax.jit(kernel)(*tuple(_d.values())))

</pallas_src>

<mosaic_0001>
#map = affine_map<(d0, d1) -> (0)>
#map1 = affine_map<(d0, d1) -> (0, 0)>
module attributes {stable_mosaic.version = 14 : i64} {
  func.func @gather_kernel(%arg0: i32, %arg1: i32, %arg2: memref<16384xi32, #tpu.memory_space<hbm>>, %arg3: memref<100000x768xf32, #tpu.memory_space<hbm>>, %arg4: memref<16384x768xf32, #tpu.memory_space<hbm>>, %arg5: memref<512xi32, #tpu.memory_space<vmem>>, %arg6: memref<16x768xf32, #tpu.memory_space<vmem>>, %arg7: memref<16x768xf32, #tpu.memory_space<vmem>>, %arg8: memref<16x768xf32, #tpu.memory_space<vmem>>, %arg9: memref<16x768xf32, #tpu.memory_space<vmem>>, %arg10: memref<16x768xf32, #tpu.memory_space<vmem>>, %arg11: memref<16x768xf32, #tpu.memory_space<vmem>>, %arg12: memref<16x768xf32, #tpu.memory_space<vmem>>, %arg13: memref<16x768xf32, #tpu.memory_space<vmem>>, %arg14: memref<!tpu.dma_semaphore, #tpu.memory_space<semaphore_mem>>, %arg15: memref<!tpu.dma_semaphore, #tpu.memory_space<semaphore_mem>>, %arg16: memref<!tpu.dma_semaphore, #tpu.memory_space<semaphore_mem>>, %arg17: memref<!tpu.dma_semaphore, #tpu.memory_space<semaphore_mem>>, %arg18: memref<!tpu.dma_semaphore, #tpu.memory_space<semaphore_mem>>, %arg19: memref<!tpu.dma_semaphore, #tpu.memory_space<semaphore_mem>>, %arg20: memref<!tpu.dma_semaphore, #tpu.memory_space<semaphore_mem>>, %arg21: memref<!tpu.dma_semaphore, #tpu.memory_space<semaphore_mem>>, %arg22: memref<!tpu.dma_semaphore, #tpu.memory_space<semaphore_mem>>, %arg23: memref<!tpu.dma_semaphore, #tpu.memory_space<semaphore_mem>>, %arg24: memref<!tpu.dma_semaphore, #tpu.memory_space<semaphore_mem>>, %arg25: memref<!tpu.dma_semaphore, #tpu.memory_space<semaphore_mem>>, %arg26: memref<!tpu.dma_semaphore, #tpu.memory_space<semaphore_mem>>, %arg27: memref<!tpu.dma_semaphore, #tpu.memory_space<semaphore_mem>>, %arg28: memref<!tpu.dma_semaphore, #tpu.memory_space<semaphore_mem>>, %arg29: memref<!tpu.dma_semaphore, #tpu.memory_space<semaphore_mem>>, %arg30: memref<!tpu.dma_semaphore, #tpu.memory_space<semaphore_mem>>) attributes {dimension_semantics = [#tpu.dimension_semantics<core_parallel>, #tpu.dimension_semantics<subcore_parallel>], iteration_bounds = array<i64: 2, 16>, scalar_prefetch = 0 : i64, scratch_operands = 26 : i64, tpu.core_type = #tpu.core_type<sc_vector_subcore>, window_params = [{transform_indices = #map}, {transform_indices = #map1}, {transform_indices = #map1}]} {
    %mul3A = arith.constant 16 : i32
    %mul3A_0 = arith.muli %arg0, %mul3A : i32
    %add3A = arith.addi %mul3A_0, %arg1 : i32
    %mul3A_1 = arith.constant 512 : i32
    %mul3A_2 = arith.muli %add3A, %mul3A_1 : i32
    %dma_start3A = tpu.memref_slice %arg2[%mul3A_2] : memref<16384xi32, #tpu.memory_space<hbm>> -> memref<512xi32, #tpu.memory_space<hbm>>
    %dma_start3A_3 = tpu.memref_slice %arg2[%mul3A_2] : memref<16384xi32, #tpu.memory_space<hbm>> -> memref<512xi32, #tpu.memory_space<hbm>>
    tpu.enqueue_dma source(%dma_start3A_3 : memref<512xi32, #tpu.memory_space<hbm>>) target(%arg5 : memref<512xi32, #tpu.memory_space<vmem>>) target_semaphore(%arg14 : memref<!tpu.dma_semaphore, #tpu.memory_space<semaphore_mem>>)
    %dma_wait3A = tpu.memref_slice %arg2[%mul3A_2] : memref<16384xi32, #tpu.memory_space<hbm>> -> memref<512xi32, #tpu.memory_space<hbm>>
    %dma_wait3A_4 = tpu.memref_slice %arg2[%mul3A_2] : memref<16384xi32, #tpu.memory_space<hbm>> -> memref<512xi32, #tpu.memory_space<hbm>>
    tpu.wait_dma2 semaphore(%arg14 : memref<!tpu.dma_semaphore, #tpu.memory_space<semaphore_mem>>) src(%dma_wait3A_4 : memref<512xi32, #tpu.memory_space<hbm>>) dst(%arg5 : memref<512xi32, #tpu.memory_space<vmem>>)
    %get3A = arith.constant 0 : index
    %get3A_5 = tpu.vector_load %arg5[%get3A] {strides = array<i32>} : memref<512xi32, #tpu.memory_space<vmem>>, vector<16xi32>,
    %get3A_6 = vector.shape_cast %get3A_5 : vector<16xi32> to vector<16xi32>
    %dma_start3A_7 = arith.constant 0 : i32
    %dma_start3A_8 = arith.constant 0 : i32
    %dma_start3A_9 = tpu.memref_slice %arg3[%dma_start3A_7, %dma_start3A_8] : memref<100000x768xf32, #tpu.memory_space<hbm>> -> memref<100000x768xf32, #tpu.memory_space<hbm>>
    tpu.enqueue_indirect_dma source(%dma_start3A_9 : memref<100000x768xf32, #tpu.memory_space<hbm>>) target(%arg6 : memref<16x768xf32, #tpu.memory_space<vmem>>) offsets(%get3A_6 : vector<16xi32>) semaphore(%arg15 : memref<!tpu.dma_semaphore, #tpu.memory_space<semaphore_mem>>)
    %get3A_10 = arith.constant 16 : index
    %get3A_11 = tpu.vector_load %arg5[%get3A_10] {strides = array<i32>} : memref<512xi32, #tpu.memory_space<vmem>>, vector<16xi32>,
    %get3A_12 = vector.shape_cast %get3A_11 : vector<16xi32> to vector<16xi32>
    %dma_start3A_13 = arith.constant 0 : i32
    %dma_start3A_14 = arith.constant 0 : i32
    %dma_start3A_15 = tpu.memref_slice %arg3[%dma_start3A_13, %dma_start3A_14] : memref<100000x768xf32, #tpu.memory_space<hbm>> -> memref<100000x768xf32, #tpu.memory_space<hbm>>
    tpu.enqueue_indirect_dma source(%dma_start3A_15 : memref<100000x768xf32, #tpu.memory_space<hbm>>) target(%arg7 : memref<16x768xf32, #tpu.memory_space<vmem>>) offsets(%get3A_12 : vector<16xi32>) semaphore(%arg16 : memref<!tpu.dma_semaphore, #tpu.memory_space<semaphore_mem>>)
    %get3A_16 = arith.constant 32 : index
    %get3A_17 = tpu.vector_load %arg5[%get3A_16] {strides = array<i32>} : memref<512xi32, #tpu.memory_space<vmem>>, vector<16xi32>,
    %get3A_18 = vector.shape_cast %get3A_17 : vector<16xi32> to vector<16xi32>
    %dma_start3A_19 = arith.constant 0 : i32
    %dma_start3A_20 = arith.constant 0 : i32
    %dma_start3A_21 = tpu.memref_slice %arg3[%dma_start3A_19, %dma_start3A_20] : memref<100000x768xf32, #tpu.memory_space<hbm>> -> memref<100000x768xf32, #tpu.memory_space<hbm>>
    tpu.enqueue_indirect_dma source(%dma_start3A_21 : memref<100000x768xf32, #tpu.memory_space<hbm>>) target(%arg8 : memref<16x768xf32, #tpu.memory_space<vmem>>) offsets(%get3A_18 : vector<16xi32>) semaphore(%arg17 : memref<!tpu.dma_semaphore, #tpu.memory_space<semaphore_mem>>)
    %get3A_22 = arith.constant 48 : index
    %get3A_23 = tpu.vector_load %arg5[%get3A_22] {strides = array<i32>} : memref<512xi32, #tpu.memory_space<vmem>>, vector<16xi32>,
    %get3A_24 = vector.shape_cast %get3A_23 : vector<16xi32> to vector<16xi32>
    %dma_start3A_25 = arith.constant 0 : i32
    %dma_start3A_26 = arith.constant 0 : i32
    %dma_start3A_27 = tpu.memref_slice %arg3[%dma_start3A_25, %dma_start3A_26] : memref<100000x768xf32, #tpu.memory_space<hbm>> -> memref<100000x768xf32, #tpu.memory_space<hbm>>
    tpu.enqueue_indirect_dma source(%dma_start3A_27 : memref<100000x768xf32, #tpu.memory_space<hbm>>) target(%arg9 : memref<16x768xf32, #tpu.memory_space<vmem>>) offsets(%get3A_24 : vector<16xi32>) semaphore(%arg18 : memref<!tpu.dma_semaphore, #tpu.memory_space<semaphore_mem>>)
    %get3A_28 = arith.constant 0 : index
    %get3A_29 = tpu.vector_load %arg5[%get3A_28] {strides = array<i32>} : memref<512xi32, #tpu.memory_space<vmem>>, vector<16xi32>,
    %get3A_30 = vector.shape_cast %get3A_29 : vector<16xi32> to vector<16xi32>
    %dma_wait3A_31 = arith.constant 0 : i32
    %dma_wait3A_32 = arith.constant 0 : i32
    %dma_wait3A_33 = tpu.memref_slice %arg3[%dma_wait3A_31, %dma_wait3A_32] : memref<100000x768xf32, #tpu.memory_space<hbm>> -> memref<100000x768xf32, #tpu.memory_space<hbm>>
    tpu.wait_indirect_dma semaphore(%arg15 : memref<!tpu.dma_semaphore, #tpu.memory_space<semaphore_mem>>) src(%dma_wait3A_33 : memref<100000x768xf32, #tpu.memory_space<hbm>>) dst(%arg6 : memref<16x768xf32, #tpu.memory_space<vmem>>)
    %add3A_34 = arith.constant 0 : i32
    %add3A_35 = arith.addi %mul3A_2, %add3A_34 : i32
    %dma_start3A_36 = arith.constant 0 : i32
    %dma_start3A_37 = tpu.memref_slice %arg4[%add3A_35, %dma_start3A_36] : memref<16384x768xf32, #tpu.memory_space<hbm>> -> memref<16x768xf32, #tpu.memory_space<hbm>>
    %dma_start3A_38 = arith.constant 0 : i32
    %dma_start3A_39 = tpu.memref_slice %arg4[%add3A_35, %dma_start3A_38] : memref<16384x768xf32, #tpu.memory_space<hbm>> -> memref<16x768xf32, #tpu.memory_space<hbm>>
    tpu.enqueue_dma source(%arg6 : memref<16x768xf32, #tpu.memory_space<vmem>>) target(%dma_start3A_39 : memref<16x768xf32, #tpu.memory_space<hbm>>) target_semaphore(%arg23 : memref<!tpu.dma_semaphore, #tpu.memory_space<semaphore_mem>>)
    %get3A_40 = arith.constant 64 : index
    %get3A_41 = tpu.vector_load %arg5[%get3A_40] {strides = array<i32>} : memref<512xi32, #tpu.memory_space<vmem>>, vector<16xi32>,
    %get3A_42 = vector.shape_cast %get3A_41 : vector<16xi32> to vector<16xi32>
    %dma_start3A_43 = arith.constant 0 : i32
    %dma_start3A_44 = arith.constant 0 : i32
    %dma_start3A_45 = tpu.memref_slice %arg3[%dma_start3A_43, %dma_start3A_44] : memref<100000x768xf32, #tpu.memory_space<hbm>> -> memref<100000x768xf32, #tpu.memory_space<hbm>>
    tpu.enqueue_indirect_dma source(%dma_start3A_45 : memref<100000x768xf32, #tpu.memory_space<hbm>>) target(%arg10 : memref<16x768xf32, #tpu.memory_space<vmem>>) offsets(%get3A_42 : vector<16xi32>) semaphore(%arg19 : memref<!tpu.dma_semaphore, #tpu.memory_space<semaphore_mem>>)
    %get3A_46 = arith.constant 16 : index
    %get3A_47 = tpu.vector_load %arg5[%get3A_46] {strides = array<i32>} : memref<512xi32, #tpu.memory_space<vmem>>, vector<16xi32>,
    %get3A_48 = vector.shape_cast %get3A_47 : vector<16xi32> to vector<16xi32>
    %dma_wait3A_49 = arith.constant 0 : i32
    %dma_wait3A_50 = arith.constant 0 : i32
    %dma_wait3A_51 = tpu.memref_slice %arg3[%dma_wait3A_49, %dma_wait3A_50] : memref<100000x768xf32, #tpu.memory_space<hbm>> -> memref<100000x768xf32, #tpu.memory_space<hbm>>
    tpu.wait_indirect_dma semaphore(%arg16 : memref<!tpu.dma_semaphore, #tpu.memory_space<semaphore_mem>>) src(%dma_wait3A_51 : memref<100000x768xf32, #tpu.memory_space<hbm>>) dst(%arg7 : memref<16x768xf32, #tpu.memory_space<vmem>>)
    %add3A_52 = arith.constant 16 : i32
    %add3A_53 = arith.addi %mul3A_2, %add3A_52 : i32
    %dma_start3A_54 = arith.constant 0 : i32
    %dma_start3A_55 = tpu.memref_slice %arg4[%add3A_53, %dma_start3A_54] : memref<16384x768xf32, #tpu.memory_space<hbm>> -> memref<16x768xf32, #tpu.memory_space<hbm>>
    %dma_start3A_56 = arith.constant 0 : i32
    %dma_start3A_57 = tpu.memref_slice %arg4[%add3A_53, %dma_start3A_56] : memref<16384x768xf32, #tpu.memory_space<hbm>> -> memref<16x768xf32, #tpu.memory_space<hbm>>
    tpu.enqueue_dma source(%arg7 : memref<16x768xf32, #tpu.memory_space<vmem>>) target(%dma_start3A_57 : memref<16x768xf32, #tpu.memory_space<hbm>>) target_semaphore(%arg24 : memref<!tpu.dma_semaphore, #tpu.memory_space<semaphore_mem>>)
    %get3A_58 = arith.constant 80 : index
    %get3A_59 = tpu.vector_load %arg5[%get3A_58] {strides = array<i32>} : memref<512xi32, #tpu.memory_space<vmem>>, vector<16xi32>,
    %get3A_60 = vector.shape_cast %get3A_59 : vector<16xi32> to vector<16xi32>
    %dma_start3A_61 = arith.constant 0 : i32
    %dma_start3A_62 = arith.constant 0 : i32
    %dma_start3A_63 = tpu.memref_slice %arg3[%dma_start3A_61, %dma_start3A_62] : memref<100000x768xf32, #tpu.memory_space<hbm>> -> memref<100000x768xf32, #tpu.memory_space<hbm>>
    tpu.enqueue_indirect_dma source(%dma_start3A_63 : memref<100000x768xf32, #tpu.memory_space<hbm>>) target(%arg11 : memref<16x768xf32, #tpu.memory_space<vmem>>) offsets(%get3A_60 : vector<16xi32>) semaphore(%arg20 : memref<!tpu.dma_semaphore, #tpu.memory_space<semaphore_mem>>)
    %get3A_64 = arith.constant 32 : index
    %get3A_65 = tpu.vector_load %arg5[%get3A_64] {strides = array<i32>} : memref<512xi32, #tpu.memory_space<vmem>>, vector<16xi32>,
    %get3A_66 = vector.shape_cast %get3A_65 : vector<16xi32> to vector<16xi32>
    %dma_wait3A_67 = arith.constant 0 : i32
    %dma_wait3A_68 = arith.constant 0 : i32
    %dma_wait3A_69 = tpu.memref_slice %arg3[%dma_wait3A_67, %dma_wait3A_68] : memref<100000x768xf32, #tpu.memory_space<hbm>> -> memref<100000x768xf32, #tpu.memory_space<hbm>>
    tpu.wait_indirect_dma semaphore(%arg17 : memref<!tpu.dma_semaphore, #tpu.memory_space<semaphore_mem>>) src(%dma_wait3A_69 : memref<100000x768xf32, #tpu.memory_space<hbm>>) dst(%arg8 : memref<16x768xf32, #tpu.memory_space<vmem>>)
    %add3A_70 = arith.constant 32 : i32
    %add3A_71 = arith.addi %mul3A_2, %add3A_70 : i32
    %dma_start3A_72 = arith.constant 0 : i32
    %dma_start3A_73 = tpu.memref_slice %arg4[%add3A_71, %dma_start3A_72] : memref<16384x768xf32, #tpu.memory_space<hbm>> -> memref<16x768xf32, #tpu.memory_space<hbm>>
    %dma_start3A_74 = arith.constant 0 : i32
    %dma_start3A_75 = tpu.memref_slice %arg4[%add3A_71, %dma_start3A_74] : memref<16384x768xf32, #tpu.memory_space<hbm>> -> memref<16x768xf32, #tpu.memory_space<hbm>>
    tpu.enqueue_dma source(%arg8 : memref<16x768xf32, #tpu.memory_space<vmem>>) target(%dma_start3A_75 : memref<16x768xf32, #tpu.memory_space<hbm>>) target_semaphore(%arg25 : memref<!tpu.dma_semaphore, #tpu.memory_space<semaphore_mem>>)
    %get3A_76 = arith.constant 96 : index
    %get3A_77 = tpu.vector_load %arg5[%get3A_76] {strides = array<i32>} : memref<512xi32, #tpu.memory_space<vmem>>, vector<16xi32>,
    %get3A_78 = vector.shape_cast %get3A_77 : vector<16xi32> to vector<16xi32>
    %dma_start3A_79 = arith.constant 0 : i32
    %dma_start3A_80 = arith.constant 0 : i32
    %dma_start3A_81 = tpu.memref_slice %arg3[%dma_start3A_79, %dma_start3A_80] : memref<100000x768xf32, #tpu.memory_space<hbm>> -> memref<100000x768xf32, #tpu.memory_space<hbm>>
    tpu.enqueue_indirect_dma source(%dma_start3A_81 : memref<100000x768xf32, #tpu.memory_space<hbm>>) target(%arg12 : memref<16x768xf32, #tpu.memory_space<vmem>>) offsets(%get3A_78 : vector<16xi32>) semaphore(%arg21 : memref<!tpu.dma_semaphore, #tpu.memory_space<semaphore_mem>>)
    %get3A_82 = arith.constant 48 : index
    %get3A_83 = tpu.vector_load %arg5[%get3A_82] {strides = array<i32>} : memref<512xi32, #tpu.memory_space<vmem>>, vector<16xi32>,
    %get3A_84 = vector.shape_cast %get3A_83 : vector<16xi32> to vector<16xi32>
    %dma_wait3A_85 = arith.constant 0 : i32
    %dma_wait3A_86 = arith.constant 0 : i32
    %dma_wait3A_87 = tpu.memref_slice %arg3[%dma_wait3A_85, %dma_wait3A_86] : memref<100000x768xf32, #tpu.memory_space<hbm>> -> memref<100000x768xf32, #tpu.memory_space<hbm>>
    tpu.wait_indirect_dma semaphore(%arg18 : memref<!tpu.dma_semaphore, #tpu.memory_space<semaphore_mem>>) src(%dma_wait3A_87 : memref<100000x768xf32, #tpu.memory_space<hbm>>) dst(%arg9 : memref<16x768xf32, #tpu.memory_space<vmem>>)
    %add3A_88 = arith.constant 48 : i32
    %add3A_89 = arith.addi %mul3A_2, %add3A_88 : i32
    %dma_start3A_90 = arith.constant 0 : i32
    %dma_start3A_91 = tpu.memref_slice %arg4[%add3A_89, %dma_start3A_90] : memref<16384x768xf32, #tpu.memory_space<hbm>> -> memref<16x768xf32, #tpu.memory_space<hbm>>
    %dma_start3A_92 = arith.constant 0 : i32
    %dma_start3A_93 = tpu.memref_slice %arg4[%add3A_89, %dma_start3A_92] : memref<16384x768xf32, #tpu.memory_space<hbm>> -> memref<16x768xf32, #tpu.memory_space<hbm>>
    tpu.enqueue_dma source(%arg9 : memref<16x768xf32, #tpu.memory_space<vmem>>) target(%dma_start3A_93 : memref<16x768xf32, #tpu.memory_space<hbm>>) target_semaphore(%arg26 : memref<!tpu.dma_semaphore, #tpu.memory_space<semaphore_mem>>)
    %get3A_94 = arith.constant 112 : index
    %get3A_95 = tpu.vector_load %arg5[%get3A_94] {strides = array<i32>} : memref<512xi32, #tpu.memory_space<vmem>>, vector<16xi32>,
    %get3A_96 = vector.shape_cast %get3A_95 : vector<16xi32> to vector<16xi32>
    %dma_start3A_97 = arith.constant 0 : i32
    %dma_start3A_98 = arith.constant 0 : i32
    %dma_start3A_99 = tpu.memref_slice %arg3[%dma_start3A_97, %dma_start3A_98] : memref<100000x768xf32, #tpu.memory_space<hbm>> -> memref<100000x768xf32, #tpu.memory_space<hbm>>
    tpu.enqueue_indirect_dma source(%dma_start3A_99 : memref<100000x768xf32, #tpu.memory_space<hbm>>) target(%arg13 : memref<16x768xf32, #tpu.memory_space<vmem>>) offsets(%get3A_96 : vector<16xi32>) semaphore(%arg22 : memref<!tpu.dma_semaphore, #tpu.memory_space<semaphore_mem>>)
    %get3A_100 = arith.constant 64 : index
    %get3A_101 = tpu.vector_load %arg5[%get3A_100] {strides = array<i32>} : memref<512xi32, #tpu.memory_space<vmem>>, vector<16xi32>,
    %get3A_102 = vector.shape_cast %get3A_101 : vector<16xi32> to vector<16xi32>
    %dma_wait3A_103 = arith.constant 0 : i32
    %dma_wait3A_104 = arith.constant 0 : i32
    %dma_wait3A_105 = tpu.memref_slice %arg3[%dma_wait3A_103, %dma_wait3A_104] : memref<100000x768xf32, #tpu.memory_space<hbm>> -> memref<100000x768xf32, #tpu.memory_space<hbm>>
    tpu.wait_indirect_dma semaphore(%arg19 : memref<!tpu.dma_semaphore, #tpu.memory_space<semaphore_mem>>) src(%dma_wait3A_105 : memref<100000x768xf32, #tpu.memory_space<hbm>>) dst(%arg10 : memref<16x768xf32, #tpu.memory_space<vmem>>)
    %add3A_106 = arith.constant 64 : i32
    %add3A_107 = arith.addi %mul3A_2, %add3A_106 : i32
    %dma_start3A_108 = arith.constant 0 : i32
    %dma_start3A_109 = tpu.memref_slice %arg4[%add3A_107, %dma_start3A_108] : memref<16384x768xf32, #tpu.memory_space<hbm>> -> memref<16x768xf32, #tpu.memory_space<hbm>>
    %dma_start3A_110 = arith.constant 0 : i32
    %dma_start3A_111 = tpu.memref_slice %arg4[%add3A_107, %dma_start3A_110] : memref<16384x768xf32, #tpu.memory_space<hbm>> -> memref<16x768xf32, #tpu.memory_space<hbm>>
    tpu.enqueue_dma source(%arg10 : memref<16x768xf32, #tpu.memory_space<vmem>>) target(%dma_start3A_111 : memref<16x768xf32, #tpu.memory_space<hbm>>) target_semaphore(%arg27 : memref<!tpu.dma_semaphore, #tpu.memory_space<semaphore_mem>>)
    %add3A_112 = arith.constant 0 : i32
    %add3A_113 = arith.addi %mul3A_2, %add3A_112 : i32
    %dma_wait3A_114 = arith.constant 0 : i32
    %dma_wait3A_115 = tpu.memref_slice %arg4[%add3A_113, %dma_wait3A_114] : memref<16384x768xf32, #tpu.memory_space<hbm>> -> memref<16x768xf32, #tpu.memory_space<hbm>>
    %dma_wait3A_116 = arith.constant 0 : i32
    %dma_wait3A_117 = tpu.memref_slice %arg4[%add3A_113, %dma_wait3A_116] : memref<16384x768xf32, #tpu.memory_space<hbm>> -> memref<16x768xf32, #tpu.memory_space<hbm>>
    tpu.wait_dma2 semaphore(%arg23 : memref<!tpu.dma_semaphore, #tpu.memory_space<semaphore_mem>>) src(%arg6 : memref<16x768xf32, #tpu.memory_space<vmem>>) dst(%dma_wait3A_117 : memref<16x768xf32, #tpu.memory_space<hbm>>)
    %get3A_118 = arith.constant 128 : index
    %get3A_119 = tpu.vector_load %arg5[%get3A_118] {strides = array<i32>} : memref<512xi32, #tpu.memory_space<vmem>>, vector<16xi32>,
    %get3A_120 = vector.shape_cast %get3A_119 : vector<16xi32> to vector<16xi32>
    %dma_start3A_121 = arith.constant 0 : i32
    %dma_start3A_122 = arith.constant 0 : i32
    %dma_start3A_123 = tpu.memref_slice %arg3[%dma_start3A_121, %dma_start3A_122] : memref<100000x768xf32, #tpu.memory_space<hbm>> -> memref<100000x768xf32, #tpu.memory_space<hbm>>
    tpu.enqueue_indirect_dma source(%dma_start3A_123 : memref<100000x768xf32, #tpu.memory_space<hbm>>) target(%arg6 : memref<16x768xf32, #tpu.memory_space<vmem>>) offsets(%get3A_120 : vector<16xi32>) semaphore(%arg15 : memref<!tpu.dma_semaphore, #tpu.memory_space<semaphore_mem>>)
    %get3A_124 = arith.constant 80 : index
    %get3A_125 = tpu.vector_load %arg5[%get3A_124] {strides = array<i32>} : memref<512xi32, #tpu.memory_space<vmem>>, vector<16xi32>,
    %get3A_126 = vector.shape_cast %get3A_125 : vector<16xi32> to vector<16xi32>
    %dma_wait3A_127 = arith.constant 0 : i32
    %dma_wait3A_128 = arith.constant 0 : i32
    %dma_wait3A_129 = tpu.memref_slice %arg3[%dma_wait3A_127, %dma_wait3A_128] : memref<100000x768xf32, #tpu.memory_space<hbm>> -> memref<100000x768xf32, #tpu.memory_space<hbm>>
    tpu.wait_indirect_dma semaphore(%arg20 : memref<!tpu.dma_semaphore, #tpu.memory_space<semaphore_mem>>) src(%dma_wait3A_129 : memref<100000x768xf32, #tpu.memory_space<hbm>>) dst(%arg11 : memref<16x768xf32, #tpu.memory_space<vmem>>)
    %add3A_130 = arith.constant 80 : i32
    %add3A_131 = arith.addi %mul3A_2, %add3A_130 : i32
    %dma_start3A_132 = arith.constant 0 : i32
    %dma_start3A_133 = tpu.memref_slice %arg4[%add3A_131, %dma_start3A_132] : memref<16384x768xf32, #tpu.memory_space<hbm>> -> memref<16x768xf32, #tpu.memory_space<hbm>>
    %dma_start3A_134 = arith.constant 0 : i32
    %dma_start3A_135 = tpu.memref_slice %arg4[%add3A_131, %dma_start3A_134] : memref<16384x768xf32, #tpu.memory_space<hbm>> -> memref<16x768xf32, #tpu.memory_space<hbm>>
    tpu.enqueue_dma source(%arg11 : memref<16x768xf32, #tpu.memory_space<vmem>>) target(%dma_start3A_135 : memref<16x768xf32, #tpu.memory_space<hbm>>) target_semaphore(%arg28 : memref<!tpu.dma_semaphore, #tpu.memory_space<semaphore_mem>>)
    %add3A_136 = arith.constant 16 : i32
    %add3A_137 = arith.addi %mul3A_2, %add3A_136 : i32
    %dma_wait3A_138 = arith.constant 0 : i32
    %dma_wait3A_139 = tpu.memref_slice %arg4[%add3A_137, %dma_wait3A_138] : memref<16384x768xf32, #tpu.memory_space<hbm>> -> memref<16x768xf32, #tpu.memory_space<hbm>>
    %dma_wait3A_140 = arith.constant 0 : i32
    %dma_wait3A_141 = tpu.memref_slice %arg4[%add3A_137, %dma_wait3A_140] : memref<16384x768xf32, #tpu.memory_space<hbm>> -> memref<16x768xf32, #tpu.memory_space<hbm>>
    tpu.wait_dma2 semaphore(%arg24 : memref<!tpu.dma_semaphore, #tpu.memory_space<semaphore_mem>>) src(%arg7 : memref<16x768xf32, #tpu.memory_space<vmem>>) dst(%dma_wait3A_141 : memref<16x768xf32, #tpu.memory_space<hbm>>)
    %get3A_142 = arith.constant 144 : index
    %get3A_143 = tpu.vector_load %arg5[%get3A_142] {strides = array<i32>} : memref<512xi32, #tpu.memory_space<vmem>>, vector<16xi32>,
    %get3A_144 = vector.shape_cast %get3A_143 : vector<16xi32> to vector<16xi32>
    %dma_start3A_145 = arith.constant 0 : i32
    %dma_start3A_146 = arith.constant 0 : i32
    %dma_start3A_147 = tpu.memref_slice %arg3[%dma_start3A_145, %dma_start3A_146] : memref<100000x768xf32, #tpu.memory_space<hbm>> -> memref<100000x768xf32, #tpu.memory_space<hbm>>
    tpu.enqueue_indirect_dma source(%dma_start3A_147 : memref<100000x768xf32, #tpu.memory_space<hbm>>) target(%arg7 : memref<16x768xf32, #tpu.memory_space<vmem>>) offsets(%get3A_144 : vector<16xi32>) semaphore(%arg16 : memref<!tpu.dma_semaphore, #tpu.memory_space<semaphore_mem>>)
    %get3A_148 = arith.constant 96 : index
    %get3A_149 = tpu.vector_load %arg5[%get3A_148] {strides = array<i32>} : memref<512xi32, #tpu.memory_space<vmem>>, vector<16xi32>,
    %get3A_150 = vector.shape_cast %get3A_149 : vector<16xi32> to vector<16xi32>
    %dma_wait3A_151 = arith.constant 0 : i32
    %dma_wait3A_152 = arith.constant 0 : i32
    %dma_wait3A_153 = tpu.memref_slice %arg3[%dma_wait3A_151, %dma_wait3A_152] : memref<100000x768xf32, #tpu.memory_space<hbm>> -> memref<100000x768xf32, #tpu.memory_space<hbm>>
    tpu.wait_indirect_dma semaphore(%arg21 : memref<!tpu.dma_semaphore, #tpu.memory_space<semaphore_mem>>) src(%dma_wait3A_153 : memref<100000x768xf32, #tpu.memory_space<hbm>>) dst(%arg12 : memref<16x768xf32, #tpu.memory_space<vmem>>)
    %add3A_154 = arith.constant 96 : i32
    %add3A_155 = arith.addi %mul3A_2, %add3A_154 : i32
    %dma_start3A_156 = arith.constant 0 : i32
    %dma_start3A_157 = tpu.memref_slice %arg4[%add3A_155, %dma_start3A_156] : memref<16384x768xf32, #tpu.memory_space<hbm>> -> memref<16x768xf32, #tpu.memory_space<hbm>>
    %dma_start3A_158 = arith.constant 0 : i32
    %dma_start3A_159 = tpu.memref_slice %arg4[%add3A_155, %dma_start3A_158] : memref<16384x768xf32, #tpu.memory_space<hbm>> -> memref<16x768xf32, #tpu.memory_space<hbm>>
    tpu.enqueue_dma source(%arg12 : memref<16x768xf32, #tpu.memory_space<vmem>>) target(%dma_start3A_159 : memref<16x768xf32, #tpu.memory_space<hbm>>) target_semaphore(%arg29 : memref<!tpu.dma_semaphore, #tpu.memory_space<semaphore_mem>>)
    %add3A_160 = arith.constant 32 : i32
    %add3A_161 = arith.addi %mul3A_2, %add3A_160 : i32
    %dma_wait3A_162 = arith.constant 0 : i32
    %dma_wait3A_163 = tpu.memref_slice %arg4[%add3A_161, %dma_wait3A_162] : memref<16384x768xf32, #tpu.memory_space<hbm>> -> memref<16x768xf32, #tpu.memory_space<hbm>>
    %dma_wait3A_164 = arith.constant 0 : i32
    %dma_wait3A_165 = tpu.memref_slice %arg4[%add3A_161, %dma_wait3A_164] : memref<16384x768xf32, #tpu.memory_space<hbm>> -> memref<16x768xf32, #tpu.memory_space<hbm>>
    tpu.wait_dma2 semaphore(%arg25 : memref<!tpu.dma_semaphore, #tpu.memory_space<semaphore_mem>>) src(%arg8 : memref<16x768xf32, #tpu.memory_space<vmem>>) dst(%dma_wait3A_165 : memref<16x768xf32, #tpu.memory_space<hbm>>)
    %get3A_166 = arith.constant 160 : index
    %get3A_167 = tpu.vector_load %arg5[%get3A_166] {strides = array<i32>} : memref<512xi32, #tpu.memory_space<vmem>>, vector<16xi32>,
    %get3A_168 = vector.shape_cast %get3A_167 : vector<16xi32> to vector<16xi32>
    %dma_start3A_169 = arith.constant 0 : i32
    %dma_start3A_170 = arith.constant 0 : i32
    %dma_start3A_171 = tpu.memref_slice %arg3[%dma_start3A_169, %dma_start3A_170] : memref<100000x768xf32, #tpu.memory_space<hbm>> -> memref<100000x768xf32, #tpu.memory_space<hbm>>
    tpu.enqueue_indirect_dma source(%dma_start3A_171 : memref<100000x768xf32, #tpu.memory_space<hbm>>) target(%arg8 : memref<16x768xf32, #tpu.memory_space<vmem>>) offsets(%get3A_168 : vector<16xi32>) semaphore(%arg17 : memref<!tpu.dma_semaphore, #tpu.memory_space<semaphore_mem>>)
    %get3A_172 = arith.constant 112 : index
    %get3A_173 = tpu.vector_load %arg5[%get3A_172] {strides = array<i32>} : memref<512xi32, #tpu.memory_space<vmem>>, vector<16xi32>,
    %get3A_174 = vector.shape_cast %get3A_173 : vector<16xi32> to vector<16xi32>
    %dma_wait3A_175 = arith.constant 0 : i32
    %dma_wait3A_176 = arith.constant 0 : i32
    %dma_wait3A_177 = tpu.memref_slice %arg3[%dma_wait3A_175, %dma_wait3A_176] : memref<100000x768xf32, #tpu.memory_space<hbm>> -> memref<100000x768xf32, #tpu.memory_space<hbm>>
    tpu.wait_indirect_dma semaphore(%arg22 : memref<!tpu.dma_semaphore, #tpu.memory_space<semaphore_mem>>) src(%dma_wait3A_177 : memref<100000x768xf32, #tpu.memory_space<hbm>>) dst(%arg13 : memref<16x768xf32, #tpu.memory_space<vmem>>)
    %add3A_178 = arith.constant 112 : i32
    %add3A_179 = arith.addi %mul3A_2, %add3A_178 : i32
    %dma_start3A_180 = arith.constant 0 : i32
    %dma_start3A_181 = tpu.memref_slice %arg4[%add3A_179, %dma_start3A_180] : memref<16384x768xf32, #tpu.memory_space<hbm>> -> memref<16x768xf32, #tpu.memory_space<hbm>>
    %dma_start3A_182 = arith.constant 0 : i32
    %dma_start3A_183 = tpu.memref_slice %arg4[%add3A_179, %dma_start3A_182] : memref<16384x768xf32, #tpu.memory_space<hbm>> -> memref<16x768xf32, #tpu.memory_space<hbm>>
    tpu.enqueue_dma source(%arg13 : memref<16x768xf32, #tpu.memory_space<vmem>>) target(%dma_start3A_183 : memref<16x768xf32, #tpu.memory_space<hbm>>) target_semaphore(%arg30 : memref<!tpu.dma_semaphore, #tpu.memory_space<semaphore_mem>>)
    %add3A_184 = arith.constant 48 : i32
    %add3A_185 = arith.addi %mul3A_2, %add3A_184 : i32
    %dma_wait3A_186 = arith.constant 0 : i32
    %dma_wait3A_187 = tpu.memref_slice %arg4[%add3A_185, %dma_wait3A_186] : memref<16384x768xf32, #tpu.memory_space<hbm>> -> memref<16x768xf32, #tpu.memory_space<hbm>>
    %dma_wait3A_188 = arith.constant 0 : i32
    %dma_wait3A_189 = tpu.memref_slice %arg4[%add3A_185, %dma_wait3A_188] : memref<16384x768xf32, #tpu.memory_space<hbm>> -> memref<16x768xf32, #tpu.memory_space<hbm>>
    tpu.wait_dma2 semaphore(%arg26 : memref<!tpu.dma_semaphore, #tpu.memory_space<semaphore_mem>>) src(%arg9 : memref<16x768xf32, #tpu.memory_space<vmem>>) dst(%dma_wait3A_189 : memref<16x768xf32, #tpu.memory_space<hbm>>)
    %get3A_190 = arith.constant 176 : index
    %get3A_191 = tpu.vector_load %arg5[%get3A_190] {strides = array<i32>} : memref<512xi32, #tpu.memory_space<vmem>>, vector<16xi32>,
    %get3A_192 = vector.shape_cast %get3A_191 : vector<16xi32> to vector<16xi32>
    %dma_start3A_193 = arith.constant 0 : i32
    %dma_start3A_194 = arith.constant 0 : i32
    %dma_start3A_195 = tpu.memref_slice %arg3[%dma_start3A_193, %dma_start3A_194] : memref<100000x768xf32, #tpu.memory_space<hbm>> -> memref<100000x768xf32, #tpu.memory_space<hbm>>
    tpu.enqueue_indirect_dma source(%dma_start3A_195 : memref<100000x768xf32, #tpu.memory_space<hbm>>) target(%arg9 : memref<16x768xf32, #tpu.memory_space<vmem>>) offsets(%get3A_192 : vector<16xi32>) semaphore(%arg18 : memref<!tpu.dma_semaphore, #tpu.memory_space<semaphore_mem>>)
    %get3A_196 = arith.constant 128 : index
    %get3A_197 = tpu.vector_load %arg5[%get3A_196] {strides = array<i32>} : memref<512xi32, #tpu.memory_space<vmem>>, vector<16xi32>,
    %get3A_198 = vector.shape_cast %get3A_197 : vector<16xi32> to vector<16xi32>
    %dma_wait3A_199 = arith.constant 0 : i32
    %dma_wait3A_200 = arith.constant 0 : i32
    %dma_wait3A_201 = tpu.memref_slice %arg3[%dma_wait3A_199, %dma_wait3A_200] : memref<100000x768xf32, #tpu.memory_space<hbm>> -> memref<100000x768xf32, #tpu.memory_space<hbm>>
    tpu.wait_indirect_dma semaphore(%arg15 : memref<!tpu.dma_semaphore, #tpu.memory_space<semaphore_mem>>) src(%dma_wait3A_201 : memref<100000x768xf32, #tpu.memory_space<hbm>>) dst(%arg6 : memref<16x768xf32, #tpu.memory_space<vmem>>)
    %add3A_202 = arith.constant 128 : i32
    %add3A_203 = arith.addi %mul3A_2, %add3A_202 : i32
    %dma_start3A_204 = arith.constant 0 : i32
    %dma_start3A_205 = tpu.memref_slice %arg4[%add3A_203, %dma_start3A_204] : memref<16384x768xf32, #tpu.memory_space<hbm>> -> memref<16x768xf32, #tpu.memory_space<hbm>>
    %dma_start3A_206 = arith.constant 0 : i32
    %dma_start3A_207 = tpu.memref_slice %arg4[%add3A_203, %dma_start3A_206] : memref<16384x768xf32, #tpu.memory_space<hbm>> -> memref<16x768xf32, #tpu.memory_space<hbm>>
    tpu.enqueue_dma source(%arg6 : memref<16x768xf32, #tpu.memory_space<vmem>>) target(%dma_start3A_207 : memref<16x768xf32, #tpu.memory_space<hbm>>) target_semaphore(%arg23 : memref<!tpu.dma_semaphore, #tpu.memory_space<semaphore_mem>>)
    %add3A_208 = arith.constant 64 : i32
    %add3A_209 = arith.addi %mul3A_2, %add3A_208 : i32
    %dma_wait3A_210 = arith.constant 0 : i32
    %dma_wait3A_211 = tpu.memref_slice %arg4[%add3A_209, %dma_wait3A_210] : memref<16384x768xf32, #tpu.memory_space<hbm>> -> memref<16x768xf32, #tpu.memory_space<hbm>>
    %dma_wait3A_212 = arith.constant 0 : i32
    %dma_wait3A_213 = tpu.memref_slice %arg4[%add3A_209, %dma_wait3A_212] : memref<16384x768xf32, #tpu.memory_space<hbm>> -> memref<16x768xf32, #tpu.memory_space<hbm>>
    tpu.wait_dma2 semaphore(%arg27 : memref<!tpu.dma_semaphore, #tpu.memory_space<semaphore_mem>>) src(%arg10 : memref<16x768xf32, #tpu.memory_space<vmem>>) dst(%dma_wait3A_213 : memref<16x768xf32, #tpu.memory_space<hbm>>)
    %get3A_214 = arith.constant 192 : index
    %get3A_215 = tpu.vector_load %arg5[%get3A_214] {strides = array<i32>} : memref<512xi32, #tpu.memory_space<vmem>>, vector<16xi32>,
    %get3A_216 = vector.shape_cast %get3A_215 : vector<16xi32> to vector<16xi32>
    %dma_start3A_217 = arith.constant 0 : i32
    %dma_start3A_218 = arith.constant 0 : i32
    %dma_start3A_219 = tpu.memref_slice %arg3[%dma_start3A_217, %dma_start3A_218] : memref<100000x768xf32, #tpu.memory_space<hbm>> -> memref<100000x768xf32, #tpu.memory_space<hbm>>
    tpu.enqueue_indirect_dma source(%dma_start3A_219 : memref<100000x768xf32, #tpu.memory_space<hbm>>) target(%arg10 : memref<16x768xf32, #tpu.memory_space<vmem>>) offsets(%get3A_216 : vector<16xi32>) semaphore(%arg19 : memref<!tpu.dma_semaphore, #tpu.memory_space<semaphore_mem>>)
    %get3A_220 = arith.constant 144 : index
    %get3A_221 = tpu.vector_load %arg5[%get3A_220] {strides = array<i32>} : memref<512xi32, #tpu.memory_space<vmem>>, vector<16xi32>,
    %get3A_222 = vector.shape_cast %get3A_221 : vector<16xi32> to vector<16xi32>
    %dma_wait3A_223 = arith.constant 0 : i32
    %dma_wait3A_224 = arith.constant 0 : i32
    %dma_wait3A_225 = tpu.memref_slice %arg3[%dma_wait3A_223, %dma_wait3A_224] : memref<100000x768xf32, #tpu.memory_space<hbm>> -> memref<100000x768xf32, #tpu.memory_space<hbm>>
    tpu.wait_indirect_dma semaphore(%arg16 : memref<!tpu.dma_semaphore, #tpu.memory_space<semaphore_mem>>) src(%dma_wait3A_225 : memref<100000x768xf32, #tpu.memory_space<hbm>>) dst(%arg7 : memref<16x768xf32, #tpu.memory_space<vmem>>)
    %add3A_226 = arith.constant 144 : i32
    %add3A_227 = arith.addi %mul3A_2, %add3A_226 : i32
    %dma_start3A_228 = arith.constant 0 : i32
    %dma_start3A_229 = tpu.memref_slice %arg4[%add3A_227, %dma_start3A_228] : memref<16384x768xf32, #tpu.memory_space<hbm>> -> memref<16x768xf32, #tpu.memory_space<hbm>>
    %dma_start3A_230 = arith.constant 0 : i32
    %dma_start3A_231 = tpu.memref_slice %arg4[%add3A_227, %dma_start3A_230] : memref<16384x768xf32, #tpu.memory_space<hbm>> -> memref<16x768xf32, #tpu.memory_space<hbm>>
    tpu.enqueue_dma source(%arg7 : memref<16x768xf32, #tpu.memory_space<vmem>>) target(%dma_start3A_231 : memref<16x768xf32, #tpu.memory_space<hbm>>) target_semaphore(%arg24 : memref<!tpu.dma_semaphore, #tpu.memory_space<semaphore_mem>>)
    %add3A_232 = arith.constant 80 : i32
    %add3A_233 = arith.addi %mul3A_2, %add3A_232 : i32
    %dma_wait3A_234 = arith.constant 0 : i32
    %dma_wait3A_235 = tpu.memref_slice %arg4[%add3A_233, %dma_wait3A_234] : memref<16384x768xf32, #tpu.memory_space<hbm>> -> memref<16x768xf32, #tpu.memory_space<hbm>>
    %dma_wait3A_236 = arith.constant 0 : i32
    %dma_wait3A_237 = tpu.memref_slice %arg4[%add3A_233, %dma_wait3A_236] : memref<16384x768xf32, #tpu.memory_space<hbm>> -> memref<16x768xf32, #tpu.memory_space<hbm>>
    tpu.wait_dma2 semaphore(%arg28 : memref<!tpu.dma_semaphore, #tpu.memory_space<semaphore_mem>>) src(%arg11 : memref<16x768xf32, #tpu.memory_space<vmem>>) dst(%dma_wait3A_237 : memref<16x768xf32, #tpu.memory_space<hbm>>)
    %get3A_238 = arith.constant 208 : index
    %get3A_239 = tpu.vector_load %arg5[%get3A_238] {strides = array<i32>} : memref<512xi32, #tpu.memory_space<vmem>>, vector<16xi32>,
    %get3A_240 = vector.shape_cast %get3A_239 : vector<16xi32> to vector<16xi32>
    %dma_start3A_241 = arith.constant 0 : i32
    %dma_start3A_242 = arith.constant 0 : i32
    %dma_start3A_243 = tpu.memref_slice %arg3[%dma_start3A_241, %dma_start3A_242] : memref<100000x768xf32, #tpu.memory_space<hbm>> -> memref<100000x768xf32, #tpu.memory_space<hbm>>
    tpu.enqueue_indirect_dma source(%dma_start3A_243 : memref<100000x768xf32, #tpu.memory_space<hbm>>) target(%arg11 : memref<16x768xf32, #tpu.memory_space<vmem>>) offsets(%get3A_240 : vector<16xi32>) semaphore(%arg20 : memref<!tpu.dma_semaphore, #tpu.memory_space<semaphore_mem>>)
    %get3A_244 = arith.constant 160 : index
    %get3A_245 = tpu.vector_load %arg5[%get3A_244] {strides = array<i32>} : memref<512xi32, #tpu.memory_space<vmem>>, vector<16xi32>,
    %get3A_246 = vector.shape_cast %get3A_245 : vector<16xi32> to vector<16xi32>
    %dma_wait3A_247 = arith.constant 0 : i32
    %dma_wait3A_248 = arith.constant 0 : i32
    %dma_wait3A_249 = tpu.memref_slice %arg3[%dma_wait3A_247, %dma_wait3A_248] : memref<100000x768xf32, #tpu.memory_space<hbm>> -> memref<100000x768xf32, #tpu.memory_space<hbm>>
    tpu.wait_indirect_dma semaphore(%arg17 : memref<!tpu.dma_semaphore, #tpu.memory_space<semaphore_mem>>) src(%dma_wait3A_249 : memref<100000x768xf32, #tpu.memory_space<hbm>>) dst(%arg8 : memref<16x768xf32, #tpu.memory_space<vmem>>)
    %add3A_250 = arith.constant 160 : i32
    %add3A_251 = arith.addi %mul3A_2, %add3A_250 : i32
    %dma_start3A_252 = arith.constant 0 : i32
    %dma_start3A_253 = tpu.memref_slice %arg4[%add3A_251, %dma_start3A_252] : memref<16384x768xf32, #tpu.memory_space<hbm>> -> memref<16x768xf32, #tpu.memory_space<hbm>>
    %dma_start3A_254 = arith.constant 0 : i32
    %dma_start3A_255 = tpu.memref_slice %arg4[%add3A_251, %dma_start3A_254] : memref<16384x768xf32, #tpu.memory_space<hbm>> -> memref<16x768xf32, #tpu.memory_space<hbm>>
    tpu.enqueue_dma source(%arg8 : memref<16x768xf32, #tpu.memory_space<vmem>>) target(%dma_start3A_255 : memref<16x768xf32, #tpu.memory_space<hbm>>) target_semaphore(%arg25 : memref<!tpu.dma_semaphore, #tpu.memory_space<semaphore_mem>>)
    %add3A_256 = arith.constant 96 : i32
    %add3A_257 = arith.addi %mul3A_2, %add3A_256 : i32
    %dma_wait3A_258 = arith.constant 0 : i32
    %dma_wait3A_259 = tpu.memref_slice %arg4[%add3A_257, %dma_wait3A_258] : memref<16384x768xf32, #tpu.memory_space<hbm>> -> memref<16x768xf32, #tpu.memory_space<hbm>>
    %dma_wait3A_260 = arith.constant 0 : i32
    %dma_wait3A_261 = tpu.memref_slice %arg4[%add3A_257, %dma_wait3A_260] : memref<16384x768xf32, #tpu.memory_space<hbm>> -> memref<16x768xf32, #tpu.memory_space<hbm>>
    tpu.wait_dma2 semaphore(%arg29 : memref<!tpu.dma_semaphore, #tpu.memory_space<semaphore_mem>>) src(%arg12 : memref<16x768xf32, #tpu.memory_space<vmem>>) dst(%dma_wait3A_261 : memref<16x768xf32, #tpu.memory_space<hbm>>)
    %get3A_262 = arith.constant 224 : index
    %get3A_263 = tpu.vector_load %arg5[%get3A_262] {strides = array<i32>} : memref<512xi32, #tpu.memory_space<vmem>>, vector<16xi32>,
    %get3A_264 = vector.shape_cast %get3A_263 : vector<16xi32> to vector<16xi32>
    %dma_start3A_265 = arith.constant 0 : i32
    %dma_start3A_266 = arith.constant 0 : i32
    %dma_start3A_267 = tpu.memref_slice %arg3[%dma_start3A_265, %dma_start3A_266] : memref<100000x768xf32, #tpu.memory_space<hbm>> -> memref<100000x768xf32, #tpu.memory_space<hbm>>
    tpu.enqueue_indirect_dma source(%dma_start3A_267 : memref<100000x768xf32, #tpu.memory_space<hbm>>) target(%arg12 : memref<16x768xf32, #tpu.memory_space<vmem>>) offsets(%get3A_264 : vector<16xi32>) semaphore(%arg21 : memref<!tpu.dma_semaphore, #tpu.memory_space<semaphore_mem>>)
    %get3A_268 = arith.constant 176 : index
    %get3A_269 = tpu.vector_load %arg5[%get3A_268] {strides = array<i32>} : memref<512xi32, #tpu.memory_space<vmem>>, vector<16xi32>,
    %get3A_270 = vector.shape_cast %get3A_269 : vector<16xi32> to vector<16xi32>
    %dma_wait3A_271 = arith.constant 0 : i32
    %dma_wait3A_272 = arith.constant 0 : i32
    %dma_wait3A_273 = tpu.memref_slice %arg3[%dma_wait3A_271, %dma_wait3A_272] : memref<100000x768xf32, #tpu.memory_space<hbm>> -> memref<100000x768xf32, #tpu.memory_space<hbm>>
    tpu.wait_indirect_dma semaphore(%arg18 : memref<!tpu.dma_semaphore, #tpu.memory_space<semaphore_mem>>) src(%dma_wait3A_273 : memref<100000x768xf32, #tpu.memory_space<hbm>>) dst(%arg9 : memref<16x768xf32, #tpu.memory_space<vmem>>)
    %add3A_274 = arith.constant 176 : i32
    %add3A_275 = arith.addi %mul3A_2, %add3A_274 : i32
    %dma_start3A_276 = arith.constant 0 : i32
    %dma_start3A_277 = tpu.memref_slice %arg4[%add3A_275, %dma_start3A_276] : memref<16384x768xf32, #tpu.memory_space<hbm>> -> memref<16x768xf32, #tpu.memory_space<hbm>>
    %dma_start3A_278 = arith.constant 0 : i32
    %dma_start3A_279 = tpu.memref_slice %arg4[%add3A_275, %dma_start3A_278] : memref<16384x768xf32, #tpu.memory_space<hbm>> -> memref<16x768xf32, #tpu.memory_space<hbm>>
    tpu.enqueue_dma source(%arg9 : memref<16x768xf32, #tpu.memory_space<vmem>>) target(%dma_start3A_279 : memref<16x768xf32, #tpu.memory_space<hbm>>) target_semaphore(%arg26 : memref<!tpu.dma_semaphore, #tpu.memory_space<semaphore_mem>>)
    %add3A_280 = arith.constant 112 : i32
    %add3A_281 = arith.addi %mul3A_2, %add3A_280 : i32
    %dma_wait3A_282 = arith.constant 0 : i32
    %dma_wait3A_283 = tpu.memref_slice %arg4[%add3A_281, %dma_wait3A_282] : memref<16384x768xf32, #tpu.memory_space<hbm>> -> memref<16x768xf32, #tpu.memory_space<hbm>>
    %dma_wait3A_284 = arith.constant 0 : i32
    %dma_wait3A_285 = tpu.memref_slice %arg4[%add3A_281, %dma_wait3A_284] : memref<16384x768xf32, #tpu.memory_space<hbm>> -> memref<16x768xf32, #tpu.memory_space<hbm>>
    tpu.wait_dma2 semaphore(%arg30 : memref<!tpu.dma_semaphore, #tpu.memory_space<semaphore_mem>>) src(%arg13 : memref<16x768xf32, #tpu.memory_space<vmem>>) dst(%dma_wait3A_285 : memref<16x768xf32, #tpu.memory_space<hbm>>)
    %get3A_286 = arith.constant 240 : index
    %get3A_287 = tpu.vector_load %arg5[%get3A_286] {strides = array<i32>} : memref<512xi32, #tpu.memory_space<vmem>>, vector<16xi32>,
    %get3A_288 = vector.shape_cast %get3A_287 : vector<16xi32> to vector<16xi32>
    %dma_start3A_289 = arith.constant 0 : i32
    %dma_start3A_290 = arith.constant 0 : i32
    %dma_start3A_291 = tpu.memref_slice %arg3[%dma_start3A_289, %dma_start3A_290] : memref<100000x768xf32, #tpu.memory_space<hbm>> -> memref<100000x768xf32, #tpu.memory_space<hbm>>
    tpu.enqueue_indirect_dma source(%dma_start3A_291 : memref<100000x768xf32, #tpu.memory_space<hbm>>) target(%arg13 : memref<16x768xf32, #tpu.memory_space<vmem>>) offsets(%get3A_288 : vector<16xi32>) semaphore(%arg22 : memref<!tpu.dma_semaphore, #tpu.memory_space<semaphore_mem>>)
    %get3A_292 = arith.constant 192 : index
    %get3A_293 = tpu.vector_load %arg5[%get3A_292] {strides = array<i32>} : memref<512xi32, #tpu.memory_space<vmem>>, vector<16xi32>,
    %get3A_294 = vector.shape_cast %get3A_293 : vector<16xi32> to vector<16xi32>
    %dma_wait3A_295 = arith.constant 0 : i32
    %dma_wait3A_296 = arith.constant 0 : i32
    %dma_wait3A_297 = tpu.memref_slice %arg3[%dma_wait3A_295, %dma_wait3A_296] : memref<100000x768xf32, #tpu.memory_space<hbm>> -> memref<100000x768xf32, #tpu.memory_space<hbm>>
    tpu.wait_indirect_dma semaphore(%arg19 : memref<!tpu.dma_semaphore, #tpu.memory_space<semaphore_mem>>) src(%dma_wait3A_297 : memref<100000x768xf32, #tpu.memory_space<hbm>>) dst(%arg10 : memref<16x768xf32, #tpu.memory_space<vmem>>)
    %add3A_298 = arith.constant 192 : i32
    %add3A_299 = arith.addi %mul3A_2, %add3A_298 : i32
    %dma_start3A_300 = arith.constant 0 : i32
    %dma_start3A_301 = tpu.memref_slice %arg4[%add3A_299, %dma_start3A_300] : memref<16384x768xf32, #tpu.memory_space<hbm>> -> memref<16x768xf32, #tpu.memory_space<hbm>>
    %dma_start3A_302 = arith.constant 0 : i32
    %dma_start3A_303 = tpu.memref_slice %arg4[%add3A_299, %dma_start3A_302] : memref<16384x768xf32, #tpu.memory_space<hbm>> -> memref<16x768xf32, #tpu.memory_space<hbm>>
    tpu.enqueue_dma source(%arg10 : memref<16x768xf32, #tpu.memory_space<vmem>>) target(%dma_start3A_303 : memref<16x768xf32, #tpu.memory_space<hbm>>) target_semaphore(%arg27 : memref<!tpu.dma_semaphore, #tpu.memory_space<semaphore_mem>>)
    %add3A_304 = arith.constant 128 : i32
    %add3A_305 = arith.addi %mul3A_2, %add3A_304 : i32
    %dma_wait3A_306 = arith.constant 0 : i32
    %dma_wait3A_307 = tpu.memref_slice %arg4[%add3A_305, %dma_wait3A_306] : memref<16384x768xf32, #tpu.memory_space<hbm>> -> memref<16x768xf32, #tpu.memory_space<hbm>>
    %dma_wait3A_308 = arith.constant 0 : i32
    %dma_wait3A_309 = tpu.memref_slice %arg4[%add3A_305, %dma_wait3A_308] : memref<16384x768xf32, #tpu.memory_space<hbm>> -> memref<16x768xf32, #tpu.memory_space<hbm>>
    tpu.wait_dma2 semaphore(%arg23 : memref<!tpu.dma_semaphore, #tpu.memory_space<semaphore_mem>>) src(%arg6 : memref<16x768xf32, #tpu.memory_space<vmem>>) dst(%dma_wait3A_309 : memref<16x768xf32, #tpu.memory_space<hbm>>)
    %get3A_310 = arith.constant 256 : index
    %get3A_311 = tpu.vector_load %arg5[%get3A_310] {strides = array<i32>} : memref<512xi32, #tpu.memory_space<vmem>>, vector<16xi32>,
    %get3A_312 = vector.shape_cast %get3A_311 : vector<16xi32> to vector<16xi32>
    %dma_start3A_313 = arith.constant 0 : i32
    %dma_start3A_314 = arith.constant 0 : i32
    %dma_start3A_315 = tpu.memref_slice %arg3[%dma_start3A_313, %dma_start3A_314] : memref<100000x768xf32, #tpu.memory_space<hbm>> -> memref<100000x768xf32, #tpu.memory_space<hbm>>
    tpu.enqueue_indirect_dma source(%dma_start3A_315 : memref<100000x768xf32, #tpu.memory_space<hbm>>) target(%arg6 : memref<16x768xf32, #tpu.memory_space<vmem>>) offsets(%get3A_312 : vector<16xi32>) semaphore(%arg15 : memref<!tpu.dma_semaphore, #tpu.memory_space<semaphore_mem>>)
    %get3A_316 = arith.constant 208 : index
    %get3A_317 = tpu.vector_load %arg5[%get3A_316] {strides = array<i32>} : memref<512xi32, #tpu.memory_space<vmem>>, vector<16xi32>,
    %get3A_318 = vector.shape_cast %get3A_317 : vector<16xi32> to vector<16xi32>
    %dma_wait3A_319 = arith.constant 0 : i32
    %dma_wait3A_320 = arith.constant 0 : i32
    %dma_wait3A_321 = tpu.memref_slice %arg3[%dma_wait3A_319, %dma_wait3A_320] : memref<100000x768xf32, #tpu.memory_space<hbm>> -> memref<100000x768xf32, #tpu.memory_space<hbm>>
    tpu.wait_indirect_dma semaphore(%arg20 : memref<!tpu.dma_semaphore, #tpu.memory_space<semaphore_mem>>) src(%dma_wait3A_321 : memref<100000x768xf32, #tpu.memory_space<hbm>>) dst(%arg11 : memref<16x768xf32, #tpu.memory_space<vmem>>)
    %add3A_322 = arith.constant 208 : i32
    %add3A_323 = arith.addi %mul3A_2, %add3A_322 : i32
    %dma_start3A_324 = arith.constant 0 : i32
    %dma_start3A_325 = tpu.memref_slice %arg4[%add3A_323, %dma_start3A_324] : memref<16384x768xf32, #tpu.memory_space<hbm>> -> memref<16x768xf32, #tpu.memory_space<hbm>>
    %dma_start3A_326 = arith.constant 0 : i32
    %dma_start3A_327 = tpu.memref_slice %arg4[%add3A_323, %dma_start3A_326] : memref<16384x768xf32, #tpu.memory_space<hbm>> -> memref<16x768xf32, #tpu.memory_space<hbm>>
    tpu.enqueue_dma source(%arg11 : memref<16x768xf32, #tpu.memory_space<vmem>>) target(%dma_start3A_327 : memref<16x768xf32, #tpu.memory_space<hbm>>) target_semaphore(%arg28 : memref<!tpu.dma_semaphore, #tpu.memory_space<semaphore_mem>>)
    %add3A_328 = arith.constant 144 : i32
    %add3A_329 = arith.addi %mul3A_2, %add3A_328 : i32
    %dma_wait3A_330 = arith.constant 0 : i32
    %dma_wait3A_331 = tpu.memref_slice %arg4[%add3A_329, %dma_wait3A_330] : memref<16384x768xf32, #tpu.memory_space<hbm>> -> memref<16x768xf32, #tpu.memory_space<hbm>>
    %dma_wait3A_332 = arith.constant 0 : i32
    %dma_wait3A_333 = tpu.memref_slice %arg4[%add3A_329, %dma_wait3A_332] : memref<16384x768xf32, #tpu.memory_space<hbm>> -> memref<16x768xf32, #tpu.memory_space<hbm>>
    tpu.wait_dma2 semaphore(%arg24 : memref<!tpu.dma_semaphore, #tpu.memory_space<semaphore_mem>>) src(%arg7 : memref<16x768xf32, #tpu.memory_space<vmem>>) dst(%dma_wait3A_333 : memref<16x768xf32, #tpu.memory_space<hbm>>)
    %get3A_334 = arith.constant 272 : index
    %get3A_335 = tpu.vector_load %arg5[%get3A_334] {strides = array<i32>} : memref<512xi32, #tpu.memory_space<vmem>>, vector<16xi32>,
    %get3A_336 = vector.shape_cast %get3A_335 : vector<16xi32> to vector<16xi32>
    %dma_start3A_337 = arith.constant 0 : i32
    %dma_start3A_338 = arith.constant 0 : i32
    %dma_start3A_339 = tpu.memref_slice %arg3[%dma_start3A_337, %dma_start3A_338] : memref<100000x768xf32, #tpu.memory_space<hbm>> -> memref<100000x768xf32, #tpu.memory_space<hbm>>
    tpu.enqueue_indirect_dma source(%dma_start3A_339 : memref<100000x768xf32, #tpu.memory_space<hbm>>) target(%arg7 : memref<16x768xf32, #tpu.memory_space<vmem>>) offsets(%get3A_336 : vector<16xi32>) semaphore(%arg16 : memref<!tpu.dma_semaphore, #tpu.memory_space<semaphore_mem>>)
    %get3A_340 = arith.constant 224 : index
    %get3A_341 = tpu.vector_load %arg5[%get3A_340] {strides = array<i32>} : memref<512xi32, #tpu.memory_space<vmem>>, vector<16xi32>,
    %get3A_342 = vector.shape_cast %get3A_341 : vector<16xi32> to vector<16xi32>
    %dma_wait3A_343 = arith.constant 0 : i32
    %dma_wait3A_344 = arith.constant 0 : i32
    %dma_wait3A_345 = tpu.memref_slice %arg3[%dma_wait3A_343, %dma_wait3A_344] : memref<100000x768xf32, #tpu.memory_space<hbm>> -> memref<100000x768xf32, #tpu.memory_space<hbm>>
    tpu.wait_indirect_dma semaphore(%arg21 : memref<!tpu.dma_semaphore, #tpu.memory_space<semaphore_mem>>) src(%dma_wait3A_345 : memref<100000x768xf32, #tpu.memory_space<hbm>>) dst(%arg12 : memref<16x768xf32, #tpu.memory_space<vmem>>)
    %add3A_346 = arith.constant 224 : i32
    %add3A_347 = arith.addi %mul3A_2, %add3A_346 : i32
    %dma_start3A_348 = arith.constant 0 : i32
    %dma_start3A_349 = tpu.memref_slice %arg4[%add3A_347, %dma_start3A_348] : memref<16384x768xf32, #tpu.memory_space<hbm>> -> memref<16x768xf32, #tpu.memory_space<hbm>>
    %dma_start3A_350 = arith.constant 0 : i32
    %dma_start3A_351 = tpu.memref_slice %arg4[%add3A_347, %dma_start3A_350] : memref<16384x768xf32, #tpu.memory_space<hbm>> -> memref<16x768xf32, #tpu.memory_space<hbm>>
    tpu.enqueue_dma source(%arg12 : memref<16x768xf32, #tpu.memory_space<vmem>>) target(%dma_start3A_351 : memref<16x768xf32, #tpu.memory_space<hbm>>) target_semaphore(%arg29 : memref<!tpu.dma_semaphore, #tpu.memory_space<semaphore_mem>>)
    %add3A_352 = arith.constant 160 : i32
    %add3A_353 = arith.addi %mul3A_2, %add3A_352 : i32
    %dma_wait3A_354 = arith.constant 0 : i32
    %dma_wait3A_355 = tpu.memref_slice %arg4[%add3A_353, %dma_wait3A_354] : memref<16384x768xf32, #tpu.memory_space<hbm>> -> memref<16x768xf32, #tpu.memory_space<hbm>>
    %dma_wait3A_356 = arith.constant 0 : i32
    %dma_wait3A_357 = tpu.memref_slice %arg4[%add3A_353, %dma_wait3A_356] : memref<16384x768xf32, #tpu.memory_space<hbm>> -> memref<16x768xf32, #tpu.memory_space<hbm>>
    tpu.wait_dma2 semaphore(%arg25 : memref<!tpu.dma_semaphore, #tpu.memory_space<semaphore_mem>>) src(%arg8 : memref<16x768xf32, #tpu.memory_space<vmem>>) dst(%dma_wait3A_357 : memref<16x768xf32, #tpu.memory_space<hbm>>)
    %get3A_358 = arith.constant 288 : index
    %get3A_359 = tpu.vector_load %arg5[%get3A_358] {strides = array<i32>} : memref<512xi32, #tpu.memory_space<vmem>>, vector<16xi32>,
    %get3A_360 = vector.shape_cast %get3A_359 : vector<16xi32> to vector<16xi32>
    %dma_start3A_361 = arith.constant 0 : i32
    %dma_start3A_362 = arith.constant 0 : i32
    %dma_start3A_363 = tpu.memref_slice %arg3[%dma_start3A_361, %dma_start3A_362] : memref<100000x768xf32, #tpu.memory_space<hbm>> -> memref<100000x768xf32, #tpu.memory_space<hbm>>
    tpu.enqueue_indirect_dma source(%dma_start3A_363 : memref<100000x768xf32, #tpu.memory_space<hbm>>) target(%arg8 : memref<16x768xf32, #tpu.memory_space<vmem>>) offsets(%get3A_360 : vector<16xi32>) semaphore(%arg17 : memref<!tpu.dma_semaphore, #tpu.memory_space<semaphore_mem>>)
    %get3A_364 = arith.constant 240 : index
    %get3A_365 = tpu.vector_load %arg5[%get3A_364] {strides = array<i32>} : memref<512xi32, #tpu.memory_space<vmem>>, vector<16xi32>,
    %get3A_366 = vector.shape_cast %get3A_365 : vector<16xi32> to vector<16xi32>
    %dma_wait3A_367 = arith.constant 0 : i32
    %dma_wait3A_368 = arith.constant 0 : i32
    %dma_wait3A_369 = tpu.memref_slice %arg3[%dma_wait3A_367, %dma_wait3A_368] : memref<100000x768xf32, #tpu.memory_space<hbm>> -> memref<100000x768xf32, #tpu.memory_space<hbm>>
    tpu.wait_indirect_dma semaphore(%arg22 : memref<!tpu.dma_semaphore, #tpu.memory_space<semaphore_mem>>) src(%dma_wait3A_369 : memref<100000x768xf32, #tpu.memory_space<hbm>>) dst(%arg13 : memref<16x768xf32, #tpu.memory_space<vmem>>)
    %add3A_370 = arith.constant 240 : i32
    %add3A_371 = arith.addi %mul3A_2, %add3A_370 : i32
    %dma_start3A_372 = arith.constant 0 : i32
    %dma_start3A_373 = tpu.memref_slice %arg4[%add3A_371, %dma_start3A_372] : memref<16384x768xf32, #tpu.memory_space<hbm>> -> memref<16x768xf32, #tpu.memory_space<hbm>>
    %dma_start3A_374 = arith.constant 0 : i32
    %dma_start3A_375 = tpu.memref_slice %arg4[%add3A_371, %dma_start3A_374] : memref<16384x768xf32, #tpu.memory_space<hbm>> -> memref<16x768xf32, #tpu.memory_space<hbm>>
    tpu.enqueue_dma source(%arg13 : memref<16x768xf32, #tpu.memory_space<vmem>>) target(%dma_start3A_375 : memref<16x768xf32, #tpu.memory_space<hbm>>) target_semaphore(%arg30 : memref<!tpu.dma_semaphore, #tpu.memory_space<semaphore_mem>>)
    %add3A_376 = arith.constant 176 : i32
    %add3A_377 = arith.addi %mul3A_2, %add3A_376 : i32
    %dma_wait3A_378 = arith.constant 0 : i32
    %dma_wait3A_379 = tpu.memref_slice %arg4[%add3A_377, %dma_wait3A_378] : memref<16384x768xf32, #tpu.memory_space<hbm>> -> memref<16x768xf32, #tpu.memory_space<hbm>>
    %dma_wait3A_380 = arith.constant 0 : i32
    %dma_wait3A_381 = tpu.memref_slice %arg4[%add3A_377, %dma_wait3A_380] : memref<16384x768xf32, #tpu.memory_space<hbm>> -> memref<16x768xf32, #tpu.memory_space<hbm>>
    tpu.wait_dma2 semaphore(%arg26 : memref<!tpu.dma_semaphore, #tpu.memory_space<semaphore_mem>>) src(%arg9 : memref<16x768xf32, #tpu.memory_space<vmem>>) dst(%dma_wait3A_381 : memref<16x768xf32, #tpu.memory_space<hbm>>)
    %get3A_382 = arith.constant 304 : index
    %get3A_383 = tpu.vector_load %arg5[%get3A_382] {strides = array<i32>} : memref<512xi32, #tpu.memory_space<vmem>>, vector<16xi32>,
    %get3A_384 = vector.shape_cast %get3A_383 : vector<16xi32> to vector<16xi32>
    %dma_start3A_385 = arith.constant 0 : i32
    %dma_start3A_386 = arith.constant 0 : i32
    %dma_start3A_387 = tpu.memref_slice %arg3[%dma_start3A_385, %dma_start3A_386] : memref<100000x768xf32, #tpu.memory_space<hbm>> -> memref<100000x768xf32, #tpu.memory_space<hbm>>
    tpu.enqueue_indirect_dma source(%dma_start3A_387 : memref<100000x768xf32, #tpu.memory_space<hbm>>) target(%arg9 : memref<16x768xf32, #tpu.memory_space<vmem>>) offsets(%get3A_384 : vector<16xi32>) semaphore(%arg18 : memref<!tpu.dma_semaphore, #tpu.memory_space<semaphore_mem>>)
    %get3A_388 = arith.constant 256 : index
    %get3A_389 = tpu.vector_load %arg5[%get3A_388] {strides = array<i32>} : memref<512xi32, #tpu.memory_space<vmem>>, vector<16xi32>,
    %get3A_390 = vector.shape_cast %get3A_389 : vector<16xi32> to vector<16xi32>
    %dma_wait3A_391 = arith.constant 0 : i32
    %dma_wait3A_392 = arith.constant 0 : i32
    %dma_wait3A_393 = tpu.memref_slice %arg3[%dma_wait3A_391, %dma_wait3A_392] : memref<100000x768xf32, #tpu.memory_space<hbm>> -> memref<100000x768xf32, #tpu.memory_space<hbm>>
    tpu.wait_indirect_dma semaphore(%arg15 : memref<!tpu.dma_semaphore, #tpu.memory_space<semaphore_mem>>) src(%dma_wait3A_393 : memref<100000x768xf32, #tpu.memory_space<hbm>>) dst(%arg6 : memref<16x768xf32, #tpu.memory_space<vmem>>)
    %add3A_394 = arith.constant 256 : i32
    %add3A_395 = arith.addi %mul3A_2, %add3A_394 : i32
    %dma_start3A_396 = arith.constant 0 : i32
    %dma_start3A_397 = tpu.memref_slice %arg4[%add3A_395, %dma_start3A_396] : memref<16384x768xf32, #tpu.memory_space<hbm>> -> memref<16x768xf32, #tpu.memory_space<hbm>>
    %dma_start3A_398 = arith.constant 0 : i32
    %dma_start3A_399 = tpu.memref_slice %arg4[%add3A_395, %dma_start3A_398] : memref<16384x768xf32, #tpu.memory_space<hbm>> -> memref<16x768xf32, #tpu.memory_space<hbm>>
    tpu.enqueue_dma source(%arg6 : memref<16x768xf32, #tpu.memory_space<vmem>>) target(%dma_start3A_399 : memref<16x768xf32, #tpu.memory_space<hbm>>) target_semaphore(%arg23 : memref<!tpu.dma_semaphore, #tpu.memory_space<semaphore_mem>>)
    %add3A_400 = arith.constant 192 : i32
    %add3A_401 = arith.addi %mul3A_2, %add3A_400 : i32
    %dma_wait3A_402 = arith.constant 0 : i32
    %dma_wait3A_403 = tpu.memref_slice %arg4[%add3A_401, %dma_wait3A_402] : memref<16384x768xf32, #tpu.memory_space<hbm>> -> memref<16x768xf32, #tpu.memory_space<hbm>>
    %dma_wait3A_404 = arith.constant 0 : i32
    %dma_wait3A_405 = tpu.memref_slice %arg4[%add3A_401, %dma_wait3A_404] : memref<16384x768xf32, #tpu.memory_space<hbm>> -> memref<16x768xf32, #tpu.memory_space<hbm>>
    tpu.wait_dma2 semaphore(%arg27 : memref<!tpu.dma_semaphore, #tpu.memory_space<semaphore_mem>>) src(%arg10 : memref<16x768xf32, #tpu.memory_space<vmem>>) dst(%dma_wait3A_405 : memref<16x768xf32, #tpu.memory_space<hbm>>)
    %get3A_406 = arith.constant 320 : index
    %get3A_407 = tpu.vector_load %arg5[%get3A_406] {strides = array<i32>} : memref<512xi32, #tpu.memory_space<vmem>>, vector<16xi32>,
    %get3A_408 = vector.shape_cast %get3A_407 : vector<16xi32> to vector<16xi32>
    %dma_start3A_409 = arith.constant 0 : i32
    %dma_start3A_410 = arith.constant 0 : i32
    %dma_start3A_411 = tpu.memref_slice %arg3[%dma_start3A_409, %dma_start3A_410] : memref<100000x768xf32, #tpu.memory_space<hbm>> -> memref<100000x768xf32, #tpu.memory_space<hbm>>
    tpu.enqueue_indirect_dma source(%dma_start3A_411 : memref<100000x768xf32, #tpu.memory_space<hbm>>) target(%arg10 : memref<16x768xf32, #tpu.memory_space<vmem>>) offsets(%get3A_408 : vector<16xi32>) semaphore(%arg19 : memref<!tpu.dma_semaphore, #tpu.memory_space<semaphore_mem>>)
    %get3A_412 = arith.constant 272 : index
    %get3A_413 = tpu.vector_load %arg5[%get3A_412] {strides = array<i32>} : memref<512xi32, #tpu.memory_space<vmem>>, vector<16xi32>,
    %get3A_414 = vector.shape_cast %get3A_413 : vector<16xi32> to vector<16xi32>
    %dma_wait3A_415 = arith.constant 0 : i32
    %dma_wait3A_416 = arith.constant 0 : i32
    %dma_wait3A_417 = tpu.memref_slice %arg3[%dma_wait3A_415, %dma_wait3A_416] : memref<100000x768xf32, #tpu.memory_space<hbm>> -> memref<100000x768xf32, #tpu.memory_space<hbm>>
    tpu.wait_indirect_dma semaphore(%arg16 : memref<!tpu.dma_semaphore, #tpu.memory_space<semaphore_mem>>) src(%dma_wait3A_417 : memref<100000x768xf32, #tpu.memory_space<hbm>>) dst(%arg7 : memref<16x768xf32, #tpu.memory_space<vmem>>)
    %add3A_418 = arith.constant 272 : i32
    %add3A_419 = arith.addi %mul3A_2, %add3A_418 : i32
    %dma_start3A_420 = arith.constant 0 : i32
    %dma_start3A_421 = tpu.memref_slice %arg4[%add3A_419, %dma_start3A_420] : memref<16384x768xf32, #tpu.memory_space<hbm>> -> memref<16x768xf32, #tpu.memory_space<hbm>>
    %dma_start3A_422 = arith.constant 0 : i32
    %dma_start3A_423 = tpu.memref_slice %arg4[%add3A_419, %dma_start3A_422] : memref<16384x768xf32, #tpu.memory_space<hbm>> -> memref<16x768xf32, #tpu.memory_space<hbm>>
    tpu.enqueue_dma source(%arg7 : memref<16x768xf32, #tpu.memory_space<vmem>>) target(%dma_start3A_423 : memref<16x768xf32, #tpu.memory_space<hbm>>) target_semaphore(%arg24 : memref<!tpu.dma_semaphore, #tpu.memory_space<semaphore_mem>>)
    %add3A_424 = arith.constant 208 : i32
    %add3A_425 = arith.addi %mul3A_2, %add3A_424 : i32
    %dma_wait3A_426 = arith.constant 0 : i32
    %dma_wait3A_427 = tpu.memref_slice %arg4[%add3A_425, %dma_wait3A_426] : memref<16384x768xf32, #tpu.memory_space<hbm>> -> memref<16x768xf32, #tpu.memory_space<hbm>>
    %dma_wait3A_428 = arith.constant 0 : i32
    %dma_wait3A_429 = tpu.memref_slice %arg4[%add3A_425, %dma_wait3A_428] : memref<16384x768xf32, #tpu.memory_space<hbm>> -> memref<16x768xf32, #tpu.memory_space<hbm>>
    tpu.wait_dma2 semaphore(%arg28 : memref<!tpu.dma_semaphore, #tpu.memory_space<semaphore_mem>>) src(%arg11 : memref<16x768xf32, #tpu.memory_space<vmem>>) dst(%dma_wait3A_429 : memref<16x768xf32, #tpu.memory_space<hbm>>)
    %get3A_430 = arith.constant 336 : index
    %get3A_431 = tpu.vector_load %arg5[%get3A_430] {strides = array<i32>} : memref<512xi32, #tpu.memory_space<vmem>>, vector<16xi32>,
    %get3A_432 = vector.shape_cast %get3A_431 : vector<16xi32> to vector<16xi32>
    %dma_start3A_433 = arith.constant 0 : i32
    %dma_start3A_434 = arith.constant 0 : i32
    %dma_start3A_435 = tpu.memref_slice %arg3[%dma_start3A_433, %dma_start3A_434] : memref<100000x768xf32, #tpu.memory_space<hbm>> -> memref<100000x768xf32, #tpu.memory_space<hbm>>
    tpu.enqueue_indirect_dma source(%dma_start3A_435 : memref<100000x768xf32, #tpu.memory_space<hbm>>) target(%arg11 : memref<16x768xf32, #tpu.memory_space<vmem>>) offsets(%get3A_432 : vector<16xi32>) semaphore(%arg20 : memref<!tpu.dma_semaphore, #tpu.memory_space<semaphore_mem>>)
    %get3A_436 = arith.constant 288 : index
    %get3A_437 = tpu.vector_load %arg5[%get3A_436] {strides = array<i32>} : memref<512xi32, #tpu.memory_space<vmem>>, vector<16xi32>,
    %get3A_438 = vector.shape_cast %get3A_437 : vector<16xi32> to vector<16xi32>
    %dma_wait3A_439 = arith.constant 0 : i32
    %dma_wait3A_440 = arith.constant 0 : i32
    %dma_wait3A_441 = tpu.memref_slice %arg3[%dma_wait3A_439, %dma_wait3A_440] : memref<100000x768xf32, #tpu.memory_space<hbm>> -> memref<100000x768xf32, #tpu.memory_space<hbm>>
    tpu.wait_indirect_dma semaphore(%arg17 : memref<!tpu.dma_semaphore, #tpu.memory_space<semaphore_mem>>) src(%dma_wait3A_441 : memref<100000x768xf32, #tpu.memory_space<hbm>>) dst(%arg8 : memref<16x768xf32, #tpu.memory_space<vmem>>)
    %add3A_442 = arith.constant 288 : i32
    %add3A_443 = arith.addi %mul3A_2, %add3A_442 : i32
    %dma_start3A_444 = arith.constant 0 : i32
    %dma_start3A_445 = tpu.memref_slice %arg4[%add3A_443, %dma_start3A_444] : memref<16384x768xf32, #tpu.memory_space<hbm>> -> memref<16x768xf32, #tpu.memory_space<hbm>>
    %dma_start3A_446 = arith.constant 0 : i32
    %dma_start3A_447 = tpu.memref_slice %arg4[%add3A_443, %dma_start3A_446] : memref<16384x768xf32, #tpu.memory_space<hbm>> -> memref<16x768xf32, #tpu.memory_space<hbm>>
    tpu.enqueue_dma source(%arg8 : memref<16x768xf32, #tpu.memory_space<vmem>>) target(%dma_start3A_447 : memref<16x768xf32, #tpu.memory_space<hbm>>) target_semaphore(%arg25 : memref<!tpu.dma_semaphore, #tpu.memory_space<semaphore_mem>>)
    %add3A_448 = arith.constant 224 : i32
    %add3A_449 = arith.addi %mul3A_2, %add3A_448 : i32
    %dma_wait3A_450 = arith.constant 0 : i32
    %dma_wait3A_451 = tpu.memref_slice %arg4[%add3A_449, %dma_wait3A_450] : memref<16384x768xf32, #tpu.memory_space<hbm>> -> memref<16x768xf32, #tpu.memory_space<hbm>>
    %dma_wait3A_452 = arith.constant 0 : i32
    %dma_wait3A_453 = tpu.memref_slice %arg4[%add3A_449, %dma_wait3A_452] : memref<16384x768xf32, #tpu.memory_space<hbm>> -> memref<16x768xf32, #tpu.memory_space<hbm>>
    tpu.wait_dma2 semaphore(%arg29 : memref<!tpu.dma_semaphore, #tpu.memory_space<semaphore_mem>>) src(%arg12 : memref<16x768xf32, #tpu.memory_space<vmem>>) dst(%dma_wait3A_453 : memref<16x768xf32, #tpu.memory_space<hbm>>)
    %get3A_454 = arith.constant 352 : index
    %get3A_455 = tpu.vector_load %arg5[%get3A_454] {strides = array<i32>} : memref<512xi32, #tpu.memory_space<vmem>>, vector<16xi32>,
    %get3A_456 = vector.shape_cast %get3A_455 : vector<16xi32> to vector<16xi32>
    %dma_start3A_457 = arith.constant 0 : i32
    %dma_start3A_458 = arith.constant 0 : i32
    %dma_start3A_459 = tpu.memref_slice %arg3[%dma_start3A_457, %dma_start3A_458] : memref<100000x768xf32, #tpu.memory_space<hbm>> -> memref<100000x768xf32, #tpu.memory_space<hbm>>
    tpu.enqueue_indirect_dma source(%dma_start3A_459 : memref<100000x768xf32, #tpu.memory_space<hbm>>) target(%arg12 : memref<16x768xf32, #tpu.memory_space<vmem>>) offsets(%get3A_456 : vector<16xi32>) semaphore(%arg21 : memref<!tpu.dma_semaphore, #tpu.memory_space<semaphore_mem>>)
    %get3A_460 = arith.constant 304 : index
    %get3A_461 = tpu.vector_load %arg5[%get3A_460] {strides = array<i32>} : memref<512xi32, #tpu.memory_space<vmem>>, vector<16xi32>,
    %get3A_462 = vector.shape_cast %get3A_461 : vector<16xi32> to vector<16xi32>
    %dma_wait3A_463 = arith.constant 0 : i32
    %dma_wait3A_464 = arith.constant 0 : i32
    %dma_wait3A_465 = tpu.memref_slice %arg3[%dma_wait3A_463, %dma_wait3A_464] : memref<100000x768xf32, #tpu.memory_space<hbm>> -> memref<100000x768xf32, #tpu.memory_space<hbm>>
    tpu.wait_indirect_dma semaphore(%arg18 : memref<!tpu.dma_semaphore, #tpu.memory_space<semaphore_mem>>) src(%dma_wait3A_465 : memref<100000x768xf32, #tpu.memory_space<hbm>>) dst(%arg9 : memref<16x768xf32, #tpu.memory_space<vmem>>)
    %add3A_466 = arith.constant 304 : i32
    %add3A_467 = arith.addi %mul3A_2, %add3A_466 : i32
    %dma_start3A_468 = arith.constant 0 : i32
    %dma_start3A_469 = tpu.memref_slice %arg4[%add3A_467, %dma_start3A_468] : memref<16384x768xf32, #tpu.memory_space<hbm>> -> memref<16x768xf32, #tpu.memory_space<hbm>>
    %dma_start3A_470 = arith.constant 0 : i32
    %dma_start3A_471 = tpu.memref_slice %arg4[%add3A_467, %dma_start3A_470] : memref<16384x768xf32, #tpu.memory_space<hbm>> -> memref<16x768xf32, #tpu.memory_space<hbm>>
    tpu.enqueue_dma source(%arg9 : memref<16x768xf32, #tpu.memory_space<vmem>>) target(%dma_start3A_471 : memref<16x768xf32, #tpu.memory_space<hbm>>) target_semaphore(%arg26 : memref<!tpu.dma_semaphore, #tpu.memory_space<semaphore_mem>>)
    %add3A_472 = arith.constant 240 : i32
    %add3A_473 = arith.addi %mul3A_2, %add3A_472 : i32
    %dma_wait3A_474 = arith.constant 0 : i32
    %dma_wait3A_475 = tpu.memref_slice %arg4[%add3A_473, %dma_wait3A_474] : memref<16384x768xf32, #tpu.memory_space<hbm>> -> memref<16x768xf32, #tpu.memory_space<hbm>>
    %dma_wait3A_476 = arith.constant 0 : i32
    %dma_wait3A_477 = tpu.memref_slice %arg4[%add3A_473, %dma_wait3A_476] : memref<16384x768xf32, #tpu.memory_space<hbm>> -> memref<16x768xf32, #tpu.memory_space<hbm>>
    tpu.wait_dma2 semaphore(%arg30 : memref<!tpu.dma_semaphore, #tpu.memory_space<semaphore_mem>>) src(%arg13 : memref<16x768xf32, #tpu.memory_space<vmem>>) dst(%dma_wait3A_477 : memref<16x768xf32, #tpu.memory_space<hbm>>)
    %get3A_478 = arith.constant 368 : index
    %get3A_479 = tpu.vector_load %arg5[%get3A_478] {strides = array<i32>} : memref<512xi32, #tpu.memory_space<vmem>>, vector<16xi32>,
    %get3A_480 = vector.shape_cast %get3A_479 : vector<16xi32> to vector<16xi32>
    %dma_start3A_481 = arith.constant 0 : i32
    %dma_start3A_482 = arith.constant 0 : i32
    %dma_start3A_483 = tpu.memref_slice %arg3[%dma_start3A_481, %dma_start3A_482] : memref<100000x768xf32, #tpu.memory_space<hbm>> -> memref<100000x768xf32, #tpu.memory_space<hbm>>
    tpu.enqueue_indirect_dma source(%dma_start3A_483 : memref<100000x768xf32, #tpu.memory_space<hbm>>) target(%arg13 : memref<16x768xf32, #tpu.memory_space<vmem>>) offsets(%get3A_480 : vector<16xi32>) semaphore(%arg22 : memref<!tpu.dma_semaphore, #tpu.memory_space<semaphore_mem>>)
    %get3A_484 = arith.constant 320 : index
    %get3A_485 = tpu.vector_load %arg5[%get3A_484] {strides = array<i32>} : memref<512xi32, #tpu.memory_space<vmem>>, vector<16xi32>,
    %get3A_486 = vector.shape_cast %get3A_485 : vector<16xi32> to vector<16xi32>
    %dma_wait3A_487 = arith.constant 0 : i32
    %dma_wait3A_488 = arith.constant 0 : i32
    %dma_wait3A_489 = tpu.memref_slice %arg3[%dma_wait3A_487, %dma_wait3A_488] : memref<100000x768xf32, #tpu.memory_space<hbm>> -> memref<100000x768xf32, #tpu.memory_space<hbm>>
    tpu.wait_indirect_dma semaphore(%arg19 : memref<!tpu.dma_semaphore, #tpu.memory_space<semaphore_mem>>) src(%dma_wait3A_489 : memref<100000x768xf32, #tpu.memory_space<hbm>>) dst(%arg10 : memref<16x768xf32, #tpu.memory_space<vmem>>)
    %add3A_490 = arith.constant 320 : i32
    %add3A_491 = arith.addi %mul3A_2, %add3A_490 : i32
    %dma_start3A_492 = arith.constant 0 : i32
    %dma_start3A_493 = tpu.memref_slice %arg4[%add3A_491, %dma_start3A_492] : memref<16384x768xf32, #tpu.memory_space<hbm>> -> memref<16x768xf32, #tpu.memory_space<hbm>>
    %dma_start3A_494 = arith.constant 0 : i32
    %dma_start3A_495 = tpu.memref_slice %arg4[%add3A_491, %dma_start3A_494] : memref<16384x768xf32, #tpu.memory_space<hbm>> -> memref<16x768xf32, #tpu.memory_space<hbm>>
    tpu.enqueue_dma source(%arg10 : memref<16x768xf32, #tpu.memory_space<vmem>>) target(%dma_start3A_495 : memref<16x768xf32, #tpu.memory_space<hbm>>) target_semaphore(%arg27 : memref<!tpu.dma_semaphore, #tpu.memory_space<semaphore_mem>>)
    %add3A_496 = arith.constant 256 : i32
    %add3A_497 = arith.addi %mul3A_2, %add3A_496 : i32
    %dma_wait3A_498 = arith.constant 0 : i32
    %dma_wait3A_499 = tpu.memref_slice %arg4[%add3A_497, %dma_wait3A_498] : memref<16384x768xf32, #tpu.memory_space<hbm>> -> memref<16x768xf32, #tpu.memory_space<hbm>>
    %dma_wait3A_500 = arith.constant 0 : i32
    %dma_wait3A_501 = tpu.memref_slice %arg4[%add3A_497, %dma_wait3A_500] : memref<16384x768xf32, #tpu.memory_space<hbm>> -> memref<16x768xf32, #tpu.memory_space<hbm>>
    tpu.wait_dma2 semaphore(%arg23 : memref<!tpu.dma_semaphore, #tpu.memory_space<semaphore_mem>>) src(%arg6 : memref<16x768xf32, #tpu.memory_space<vmem>>) dst(%dma_wait3A_501 : memref<16x768xf32, #tpu.memory_space<hbm>>)
    %get3A_502 = arith.constant 384 : index
    %get3A_503 = tpu.vector_load %arg5[%get3A_502] {strides = array<i32>} : memref<512xi32, #tpu.memory_space<vmem>>, vector<16xi32>,
    %get3A_504 = vector.shape_cast %get3A_503 : vector<16xi32> to vector<16xi32>
    %dma_start3A_505 = arith.constant 0 : i32
    %dma_start3A_506 = arith.constant 0 : i32
    %dma_start3A_507 = tpu.memref_slice %arg3[%dma_start3A_505, %dma_start3A_506] : memref<100000x768xf32, #tpu.memory_space<hbm>> -> memref<100000x768xf32, #tpu.memory_space<hbm>>
    tpu.enqueue_indirect_dma source(%dma_start3A_507 : memref<100000x768xf32, #tpu.memory_space<hbm>>) target(%arg6 : memref<16x768xf32, #tpu.memory_space<vmem>>) offsets(%get3A_504 : vector<16xi32>) semaphore(%arg15 : memref<!tpu.dma_semaphore, #tpu.memory_space<semaphore_mem>>)
    %get3A_508 = arith.constant 336 : index
    %get3A_509 = tpu.vector_load %arg5[%get3A_508] {strides = array<i32>} : memref<512xi32, #tpu.memory_space<vmem>>, vector<16xi32>,
    %get3A_510 = vector.shape_cast %get3A_509 : vector<16xi32> to vector<16xi32>
    %dma_wait3A_511 = arith.constant 0 : i32
    %dma_wait3A_512 = arith.constant 0 : i32
    %dma_wait3A_513 = tpu.memref_slice %arg3[%dma_wait3A_511, %dma_wait3A_512] : memref<100000x768xf32, #tpu.memory_space<hbm>> -> memref<100000x768xf32, #tpu.memory_space<hbm>>
    tpu.wait_indirect_dma semaphore(%arg20 : memref<!tpu.dma_semaphore, #tpu.memory_space<semaphore_mem>>) src(%dma_wait3A_513 : memref<100000x768xf32, #tpu.memory_space<hbm>>) dst(%arg11 : memref<16x768xf32, #tpu.memory_space<vmem>>)
    %add3A_514 = arith.constant 336 : i32
    %add3A_515 = arith.addi %mul3A_2, %add3A_514 : i32
    %dma_start3A_516 = arith.constant 0 : i32
    %dma_start3A_517 = tpu.memref_slice %arg4[%add3A_515, %dma_start3A_516] : memref<16384x768xf32, #tpu.memory_space<hbm>> -> memref<16x768xf32, #tpu.memory_space<hbm>>
    %dma_start3A_518 = arith.constant 0 : i32
    %dma_start3A_519 = tpu.memref_slice %arg4[%add3A_515, %dma_start3A_518] : memref<16384x768xf32, #tpu.memory_space<hbm>> -> memref<16x768xf32, #tpu.memory_space<hbm>>
    tpu.enqueue_dma source(%arg11 : memref<16x768xf32, #tpu.memory_space<vmem>>) target(%dma_start3A_519 : memref<16x768xf32, #tpu.memory_space<hbm>>) target_semaphore(%arg28 : memref<!tpu.dma_semaphore, #tpu.memory_space<semaphore_mem>>)
    %add3A_520 = arith.constant 272 : i32
    %add3A_521 = arith.addi %mul3A_2, %add3A_520 : i32
    %dma_wait3A_522 = arith.constant 0 : i32
    %dma_wait3A_523 = tpu.memref_slice %arg4[%add3A_521, %dma_wait3A_522] : memref<16384x768xf32, #tpu.memory_space<hbm>> -> memref<16x768xf32, #tpu.memory_space<hbm>>
    %dma_wait3A_524 = arith.constant 0 : i32
    %dma_wait3A_525 = tpu.memref_slice %arg4[%add3A_521, %dma_wait3A_524] : memref<16384x768xf32, #tpu.memory_space<hbm>> -> memref<16x768xf32, #tpu.memory_space<hbm>>
    tpu.wait_dma2 semaphore(%arg24 : memref<!tpu.dma_semaphore, #tpu.memory_space<semaphore_mem>>) src(%arg7 : memref<16x768xf32, #tpu.memory_space<vmem>>) dst(%dma_wait3A_525 : memref<16x768xf32, #tpu.memory_space<hbm>>)
    %get3A_526 = arith.constant 400 : index
    %get3A_527 = tpu.vector_load %arg5[%get3A_526] {strides = array<i32>} : memref<512xi32, #tpu.memory_space<vmem>>, vector<16xi32>,
    %get3A_528 = vector.shape_cast %get3A_527 : vector<16xi32> to vector<16xi32>
    %dma_start3A_529 = arith.constant 0 : i32
    %dma_start3A_530 = arith.constant 0 : i32
    %dma_start3A_531 = tpu.memref_slice %arg3[%dma_start3A_529, %dma_start3A_530] : memref<100000x768xf32, #tpu.memory_space<hbm>> -> memref<100000x768xf32, #tpu.memory_space<hbm>>
    tpu.enqueue_indirect_dma source(%dma_start3A_531 : memref<100000x768xf32, #tpu.memory_space<hbm>>) target(%arg7 : memref<16x768xf32, #tpu.memory_space<vmem>>) offsets(%get3A_528 : vector<16xi32>) semaphore(%arg16 : memref<!tpu.dma_semaphore, #tpu.memory_space<semaphore_mem>>)
    %get3A_532 = arith.constant 352 : index
    %get3A_533 = tpu.vector_load %arg5[%get3A_532] {strides = array<i32>} : memref<512xi32, #tpu.memory_space<vmem>>, vector<16xi32>,
    %get3A_534 = vector.shape_cast %get3A_533 : vector<16xi32> to vector<16xi32>
    %dma_wait3A_535 = arith.constant 0 : i32
    %dma_wait3A_536 = arith.constant 0 : i32
    %dma_wait3A_537 = tpu.memref_slice %arg3[%dma_wait3A_535, %dma_wait3A_536] : memref<100000x768xf32, #tpu.memory_space<hbm>> -> memref<100000x768xf32, #tpu.memory_space<hbm>>
    tpu.wait_indirect_dma semaphore(%arg21 : memref<!tpu.dma_semaphore, #tpu.memory_space<semaphore_mem>>) src(%dma_wait3A_537 : memref<100000x768xf32, #tpu.memory_space<hbm>>) dst(%arg12 : memref<16x768xf32, #tpu.memory_space<vmem>>)
    %add3A_538 = arith.constant 352 : i32
    %add3A_539 = arith.addi %mul3A_2, %add3A_538 : i32
    %dma_start3A_540 = arith.constant 0 : i32
    %dma_start3A_541 = tpu.memref_slice %arg4[%add3A_539, %dma_start3A_540] : memref<16384x768xf32, #tpu.memory_space<hbm>> -> memref<16x768xf32, #tpu.memory_space<hbm>>
    %dma_start3A_542 = arith.constant 0 : i32
    %dma_start3A_543 = tpu.memref_slice %arg4[%add3A_539, %dma_start3A_542] : memref<16384x768xf32, #tpu.memory_space<hbm>> -> memref<16x768xf32, #tpu.memory_space<hbm>>
    tpu.enqueue_dma source(%arg12 : memref<16x768xf32, #tpu.memory_space<vmem>>) target(%dma_start3A_543 : memref<16x768xf32, #tpu.memory_space<hbm>>) target_semaphore(%arg29 : memref<!tpu.dma_semaphore, #tpu.memory_space<semaphore_mem>>)
    %add3A_544 = arith.constant 288 : i32
    %add3A_545 = arith.addi %mul3A_2, %add3A_544 : i32
    %dma_wait3A_546 = arith.constant 0 : i32
    %dma_wait3A_547 = tpu.memref_slice %arg4[%add3A_545, %dma_wait3A_546] : memref<16384x768xf32, #tpu.memory_space<hbm>> -> memref<16x768xf32, #tpu.memory_space<hbm>>
    %dma_wait3A_548 = arith.constant 0 : i32
    %dma_wait3A_549 = tpu.memref_slice %arg4[%add3A_545, %dma_wait3A_548] : memref<16384x768xf32, #tpu.memory_space<hbm>> -> memref<16x768xf32, #tpu.memory_space<hbm>>
    tpu.wait_dma2 semaphore(%arg25 : memref<!tpu.dma_semaphore, #tpu.memory_space<semaphore_mem>>) src(%arg8 : memref<16x768xf32, #tpu.memory_space<vmem>>) dst(%dma_wait3A_549 : memref<16x768xf32, #tpu.memory_space<hbm>>)
    %get3A_550 = arith.constant 416 : index
    %get3A_551 = tpu.vector_load %arg5[%get3A_550] {strides = array<i32>} : memref<512xi32, #tpu.memory_space<vmem>>, vector<16xi32>,
    %get3A_552 = vector.shape_cast %get3A_551 : vector<16xi32> to vector<16xi32>
    %dma_start3A_553 = arith.constant 0 : i32
    %dma_start3A_554 = arith.constant 0 : i32
    %dma_start3A_555 = tpu.memref_slice %arg3[%dma_start3A_553, %dma_start3A_554] : memref<100000x768xf32, #tpu.memory_space<hbm>> -> memref<100000x768xf32, #tpu.memory_space<hbm>>
    tpu.enqueue_indirect_dma source(%dma_start3A_555 : memref<100000x768xf32, #tpu.memory_space<hbm>>) target(%arg8 : memref<16x768xf32, #tpu.memory_space<vmem>>) offsets(%get3A_552 : vector<16xi32>) semaphore(%arg17 : memref<!tpu.dma_semaphore, #tpu.memory_space<semaphore_mem>>)
    %get3A_556 = arith.constant 368 : index
    %get3A_557 = tpu.vector_load %arg5[%get3A_556] {strides = array<i32>} : memref<512xi32, #tpu.memory_space<vmem>>, vector<16xi32>,
    %get3A_558 = vector.shape_cast %get3A_557 : vector<16xi32> to vector<16xi32>
    %dma_wait3A_559 = arith.constant 0 : i32
    %dma_wait3A_560 = arith.constant 0 : i32
    %dma_wait3A_561 = tpu.memref_slice %arg3[%dma_wait3A_559, %dma_wait3A_560] : memref<100000x768xf32, #tpu.memory_space<hbm>> -> memref<100000x768xf32, #tpu.memory_space<hbm>>
    tpu.wait_indirect_dma semaphore(%arg22 : memref<!tpu.dma_semaphore, #tpu.memory_space<semaphore_mem>>) src(%dma_wait3A_561 : memref<100000x768xf32, #tpu.memory_space<hbm>>) dst(%arg13 : memref<16x768xf32, #tpu.memory_space<vmem>>)
    %add3A_562 = arith.constant 368 : i32
    %add3A_563 = arith.addi %mul3A_2, %add3A_562 : i32
    %dma_start3A_564 = arith.constant 0 : i32
    %dma_start3A_565 = tpu.memref_slice %arg4[%add3A_563, %dma_start3A_564] : memref<16384x768xf32, #tpu.memory_space<hbm>> -> memref<16x768xf32, #tpu.memory_space<hbm>>
    %dma_start3A_566 = arith.constant 0 : i32
    %dma_start3A_567 = tpu.memref_slice %arg4[%add3A_563, %dma_start3A_566] : memref<16384x768xf32, #tpu.memory_space<hbm>> -> memref<16x768xf32, #tpu.memory_space<hbm>>
    tpu.enqueue_dma source(%arg13 : memref<16x768xf32, #tpu.memory_space<vmem>>) target(%dma_start3A_567 : memref<16x768xf32, #tpu.memory_space<hbm>>) target_semaphore(%arg30 : memref<!tpu.dma_semaphore, #tpu.memory_space<semaphore_mem>>)
    %add3A_568 = arith.constant 304 : i32
    %add3A_569 = arith.addi %mul3A_2, %add3A_568 : i32
    %dma_wait3A_570 = arith.constant 0 : i32
    %dma_wait3A_571 = tpu.memref_slice %arg4[%add3A_569, %dma_wait3A_570] : memref<16384x768xf32, #tpu.memory_space<hbm>> -> memref<16x768xf32, #tpu.memory_space<hbm>>
    %dma_wait3A_572 = arith.constant 0 : i32
    %dma_wait3A_573 = tpu.memref_slice %arg4[%add3A_569, %dma_wait3A_572] : memref<16384x768xf32, #tpu.memory_space<hbm>> -> memref<16x768xf32, #tpu.memory_space<hbm>>
    tpu.wait_dma2 semaphore(%arg26 : memref<!tpu.dma_semaphore, #tpu.memory_space<semaphore_mem>>) src(%arg9 : memref<16x768xf32, #tpu.memory_space<vmem>>) dst(%dma_wait3A_573 : memref<16x768xf32, #tpu.memory_space<hbm>>)
    %get3A_574 = arith.constant 432 : index
    %get3A_575 = tpu.vector_load %arg5[%get3A_574] {strides = array<i32>} : memref<512xi32, #tpu.memory_space<vmem>>, vector<16xi32>,
    %get3A_576 = vector.shape_cast %get3A_575 : vector<16xi32> to vector<16xi32>
    %dma_start3A_577 = arith.constant 0 : i32
    %dma_start3A_578 = arith.constant 0 : i32
    %dma_start3A_579 = tpu.memref_slice %arg3[%dma_start3A_577, %dma_start3A_578] : memref<100000x768xf32, #tpu.memory_space<hbm>> -> memref<100000x768xf32, #tpu.memory_space<hbm>>
    tpu.enqueue_indirect_dma source(%dma_start3A_579 : memref<100000x768xf32, #tpu.memory_space<hbm>>) target(%arg9 : memref<16x768xf32, #tpu.memory_space<vmem>>) offsets(%get3A_576 : vector<16xi32>) semaphore(%arg18 : memref<!tpu.dma_semaphore, #tpu.memory_space<semaphore_mem>>)
    %get3A_580 = arith.constant 384 : index
    %get3A_581 = tpu.vector_load %arg5[%get3A_580] {strides = array<i32>} : memref<512xi32, #tpu.memory_space<vmem>>, vector<16xi32>,
    %get3A_582 = vector.shape_cast %get3A_581 : vector<16xi32> to vector<16xi32>
    %dma_wait3A_583 = arith.constant 0 : i32
    %dma_wait3A_584 = arith.constant 0 : i32
    %dma_wait3A_585 = tpu.memref_slice %arg3[%dma_wait3A_583, %dma_wait3A_584] : memref<100000x768xf32, #tpu.memory_space<hbm>> -> memref<100000x768xf32, #tpu.memory_space<hbm>>
    tpu.wait_indirect_dma semaphore(%arg15 : memref<!tpu.dma_semaphore, #tpu.memory_space<semaphore_mem>>) src(%dma_wait3A_585 : memref<100000x768xf32, #tpu.memory_space<hbm>>) dst(%arg6 : memref<16x768xf32, #tpu.memory_space<vmem>>)
    %add3A_586 = arith.constant 384 : i32
    %add3A_587 = arith.addi %mul3A_2, %add3A_586 : i32
    %dma_start3A_588 = arith.constant 0 : i32
    %dma_start3A_589 = tpu.memref_slice %arg4[%add3A_587, %dma_start3A_588] : memref<16384x768xf32, #tpu.memory_space<hbm>> -> memref<16x768xf32, #tpu.memory_space<hbm>>
    %dma_start3A_590 = arith.constant 0 : i32
    %dma_start3A_591 = tpu.memref_slice %arg4[%add3A_587, %dma_start3A_590] : memref<16384x768xf32, #tpu.memory_space<hbm>> -> memref<16x768xf32, #tpu.memory_space<hbm>>
    tpu.enqueue_dma source(%arg6 : memref<16x768xf32, #tpu.memory_space<vmem>>) target(%dma_start3A_591 : memref<16x768xf32, #tpu.memory_space<hbm>>) target_semaphore(%arg23 : memref<!tpu.dma_semaphore, #tpu.memory_space<semaphore_mem>>)
    %add3A_592 = arith.constant 320 : i32
    %add3A_593 = arith.addi %mul3A_2, %add3A_592 : i32
    %dma_wait3A_594 = arith.constant 0 : i32
    %dma_wait3A_595 = tpu.memref_slice %arg4[%add3A_593, %dma_wait3A_594] : memref<16384x768xf32, #tpu.memory_space<hbm>> -> memref<16x768xf32, #tpu.memory_space<hbm>>
    %dma_wait3A_596 = arith.constant 0 : i32
    %dma_wait3A_597 = tpu.memref_slice %arg4[%add3A_593, %dma_wait3A_596] : memref<16384x768xf32, #tpu.memory_space<hbm>> -> memref<16x768xf32, #tpu.memory_space<hbm>>
    tpu.wait_dma2 semaphore(%arg27 : memref<!tpu.dma_semaphore, #tpu.memory_space<semaphore_mem>>) src(%arg10 : memref<16x768xf32, #tpu.memory_space<vmem>>) dst(%dma_wait3A_597 : memref<16x768xf32, #tpu.memory_space<hbm>>)
    %get3A_598 = arith.constant 448 : index
    %get3A_599 = tpu.vector_load %arg5[%get3A_598] {strides = array<i32>} : memref<512xi32, #tpu.memory_space<vmem>>, vector<16xi32>,
    %get3A_600 = vector.shape_cast %get3A_599 : vector<16xi32> to vector<16xi32>
    %dma_start3A_601 = arith.constant 0 : i32
    %dma_start3A_602 = arith.constant 0 : i32
    %dma_start3A_603 = tpu.memref_slice %arg3[%dma_start3A_601, %dma_start3A_602] : memref<100000x768xf32, #tpu.memory_space<hbm>> -> memref<100000x768xf32, #tpu.memory_space<hbm>>
    tpu.enqueue_indirect_dma source(%dma_start3A_603 : memref<100000x768xf32, #tpu.memory_space<hbm>>) target(%arg10 : memref<16x768xf32, #tpu.memory_space<vmem>>) offsets(%get3A_600 : vector<16xi32>) semaphore(%arg19 : memref<!tpu.dma_semaphore, #tpu.memory_space<semaphore_mem>>)
    %get3A_604 = arith.constant 400 : index
    %get3A_605 = tpu.vector_load %arg5[%get3A_604] {strides = array<i32>} : memref<512xi32, #tpu.memory_space<vmem>>, vector<16xi32>,
    %get3A_606 = vector.shape_cast %get3A_605 : vector<16xi32> to vector<16xi32>
    %dma_wait3A_607 = arith.constant 0 : i32
    %dma_wait3A_608 = arith.constant 0 : i32
    %dma_wait3A_609 = tpu.memref_slice %arg3[%dma_wait3A_607, %dma_wait3A_608] : memref<100000x768xf32, #tpu.memory_space<hbm>> -> memref<100000x768xf32, #tpu.memory_space<hbm>>
    tpu.wait_indirect_dma semaphore(%arg16 : memref<!tpu.dma_semaphore, #tpu.memory_space<semaphore_mem>>) src(%dma_wait3A_609 : memref<100000x768xf32, #tpu.memory_space<hbm>>) dst(%arg7 : memref<16x768xf32, #tpu.memory_space<vmem>>)
    %add3A_610 = arith.constant 400 : i32
    %add3A_611 = arith.addi %mul3A_2, %add3A_610 : i32
    %dma_start3A_612 = arith.constant 0 : i32
    %dma_start3A_613 = tpu.memref_slice %arg4[%add3A_611, %dma_start3A_612] : memref<16384x768xf32, #tpu.memory_space<hbm>> -> memref<16x768xf32, #tpu.memory_space<hbm>>
    %dma_start3A_614 = arith.constant 0 : i32
    %dma_start3A_615 = tpu.memref_slice %arg4[%add3A_611, %dma_start3A_614] : memref<16384x768xf32, #tpu.memory_space<hbm>> -> memref<16x768xf32, #tpu.memory_space<hbm>>
    tpu.enqueue_dma source(%arg7 : memref<16x768xf32, #tpu.memory_space<vmem>>) target(%dma_start3A_615 : memref<16x768xf32, #tpu.memory_space<hbm>>) target_semaphore(%arg24 : memref<!tpu.dma_semaphore, #tpu.memory_space<semaphore_mem>>)
    %add3A_616 = arith.constant 336 : i32
    %add3A_617 = arith.addi %mul3A_2, %add3A_616 : i32
    %dma_wait3A_618 = arith.constant 0 : i32
    %dma_wait3A_619 = tpu.memref_slice %arg4[%add3A_617, %dma_wait3A_618] : memref<16384x768xf32, #tpu.memory_space<hbm>> -> memref<16x768xf32, #tpu.memory_space<hbm>>
    %dma_wait3A_620 = arith.constant 0 : i32
    %dma_wait3A_621 = tpu.memref_slice %arg4[%add3A_617, %dma_wait3A_620] : memref<16384x768xf32, #tpu.memory_space<hbm>> -> memref<16x768xf32, #tpu.memory_space<hbm>>
    tpu.wait_dma2 semaphore(%arg28 : memref<!tpu.dma_semaphore, #tpu.memory_space<semaphore_mem>>) src(%arg11 : memref<16x768xf32, #tpu.memory_space<vmem>>) dst(%dma_wait3A_621 : memref<16x768xf32, #tpu.memory_space<hbm>>)
    %get3A_622 = arith.constant 464 : index
    %get3A_623 = tpu.vector_load %arg5[%get3A_622] {strides = array<i32>} : memref<512xi32, #tpu.memory_space<vmem>>, vector<16xi32>,
    %get3A_624 = vector.shape_cast %get3A_623 : vector<16xi32> to vector<16xi32>
    %dma_start3A_625 = arith.constant 0 : i32
    %dma_start3A_626 = arith.constant 0 : i32
    %dma_start3A_627 = tpu.memref_slice %arg3[%dma_start3A_625, %dma_start3A_626] : memref<100000x768xf32, #tpu.memory_space<hbm>> -> memref<100000x768xf32, #tpu.memory_space<hbm>>
    tpu.enqueue_indirect_dma source(%dma_start3A_627 : memref<100000x768xf32, #tpu.memory_space<hbm>>) target(%arg11 : memref<16x768xf32, #tpu.memory_space<vmem>>) offsets(%get3A_624 : vector<16xi32>) semaphore(%arg20 : memref<!tpu.dma_semaphore, #tpu.memory_space<semaphore_mem>>)
    %get3A_628 = arith.constant 416 : index
    %get3A_629 = tpu.vector_load %arg5[%get3A_628] {strides = array<i32>} : memref<512xi32, #tpu.memory_space<vmem>>, vector<16xi32>,
    %get3A_630 = vector.shape_cast %get3A_629 : vector<16xi32> to vector<16xi32>
    %dma_wait3A_631 = arith.constant 0 : i32
    %dma_wait3A_632 = arith.constant 0 : i32
    %dma_wait3A_633 = tpu.memref_slice %arg3[%dma_wait3A_631, %dma_wait3A_632] : memref<100000x768xf32, #tpu.memory_space<hbm>> -> memref<100000x768xf32, #tpu.memory_space<hbm>>
    tpu.wait_indirect_dma semaphore(%arg17 : memref<!tpu.dma_semaphore, #tpu.memory_space<semaphore_mem>>) src(%dma_wait3A_633 : memref<100000x768xf32, #tpu.memory_space<hbm>>) dst(%arg8 : memref<16x768xf32, #tpu.memory_space<vmem>>)
    %add3A_634 = arith.constant 416 : i32
    %add3A_635 = arith.addi %mul3A_2, %add3A_634 : i32
    %dma_start3A_636 = arith.constant 0 : i32
    %dma_start3A_637 = tpu.memref_slice %arg4[%add3A_635, %dma_start3A_636] : memref<16384x768xf32, #tpu.memory_space<hbm>> -> memref<16x768xf32, #tpu.memory_space<hbm>>
    %dma_start3A_638 = arith.constant 0 : i32
    %dma_start3A_639 = tpu.memref_slice %arg4[%add3A_635, %dma_start3A_638] : memref<16384x768xf32, #tpu.memory_space<hbm>> -> memref<16x768xf32, #tpu.memory_space<hbm>>
    tpu.enqueue_dma source(%arg8 : memref<16x768xf32, #tpu.memory_space<vmem>>) target(%dma_start3A_639 : memref<16x768xf32, #tpu.memory_space<hbm>>) target_semaphore(%arg25 : memref<!tpu.dma_semaphore, #tpu.memory_space<semaphore_mem>>)
    %add3A_640 = arith.constant 352 : i32
    %add3A_641 = arith.addi %mul3A_2, %add3A_640 : i32
    %dma_wait3A_642 = arith.constant 0 : i32
    %dma_wait3A_643 = tpu.memref_slice %arg4[%add3A_641, %dma_wait3A_642] : memref<16384x768xf32, #tpu.memory_space<hbm>> -> memref<16x768xf32, #tpu.memory_space<hbm>>
    %dma_wait3A_644 = arith.constant 0 : i32
    %dma_wait3A_645 = tpu.memref_slice %arg4[%add3A_641, %dma_wait3A_644] : memref<16384x768xf32, #tpu.memory_space<hbm>> -> memref<16x768xf32, #tpu.memory_space<hbm>>
    tpu.wait_dma2 semaphore(%arg29 : memref<!tpu.dma_semaphore, #tpu.memory_space<semaphore_mem>>) src(%arg12 : memref<16x768xf32, #tpu.memory_space<vmem>>) dst(%dma_wait3A_645 : memref<16x768xf32, #tpu.memory_space<hbm>>)
    %get3A_646 = arith.constant 480 : index
    %get3A_647 = tpu.vector_load %arg5[%get3A_646] {strides = array<i32>} : memref<512xi32, #tpu.memory_space<vmem>>, vector<16xi32>,
    %get3A_648 = vector.shape_cast %get3A_647 : vector<16xi32> to vector<16xi32>
    %dma_start3A_649 = arith.constant 0 : i32
    %dma_start3A_650 = arith.constant 0 : i32
    %dma_start3A_651 = tpu.memref_slice %arg3[%dma_start3A_649, %dma_start3A_650] : memref<100000x768xf32, #tpu.memory_space<hbm>> -> memref<100000x768xf32, #tpu.memory_space<hbm>>
    tpu.enqueue_indirect_dma source(%dma_start3A_651 : memref<100000x768xf32, #tpu.memory_space<hbm>>) target(%arg12 : memref<16x768xf32, #tpu.memory_space<vmem>>) offsets(%get3A_648 : vector<16xi32>) semaphore(%arg21 : memref<!tpu.dma_semaphore, #tpu.memory_space<semaphore_mem>>)
    %get3A_652 = arith.constant 432 : index
    %get3A_653 = tpu.vector_load %arg5[%get3A_652] {strides = array<i32>} : memref<512xi32, #tpu.memory_space<vmem>>, vector<16xi32>,
    %get3A_654 = vector.shape_cast %get3A_653 : vector<16xi32> to vector<16xi32>
    %dma_wait3A_655 = arith.constant 0 : i32
    %dma_wait3A_656 = arith.constant 0 : i32
    %dma_wait3A_657 = tpu.memref_slice %arg3[%dma_wait3A_655, %dma_wait3A_656] : memref<100000x768xf32, #tpu.memory_space<hbm>> -> memref<100000x768xf32, #tpu.memory_space<hbm>>
    tpu.wait_indirect_dma semaphore(%arg18 : memref<!tpu.dma_semaphore, #tpu.memory_space<semaphore_mem>>) src(%dma_wait3A_657 : memref<100000x768xf32, #tpu.memory_space<hbm>>) dst(%arg9 : memref<16x768xf32, #tpu.memory_space<vmem>>)
    %add3A_658 = arith.constant 432 : i32
    %add3A_659 = arith.addi %mul3A_2, %add3A_658 : i32
    %dma_start3A_660 = arith.constant 0 : i32
    %dma_start3A_661 = tpu.memref_slice %arg4[%add3A_659, %dma_start3A_660] : memref<16384x768xf32, #tpu.memory_space<hbm>> -> memref<16x768xf32, #tpu.memory_space<hbm>>
    %dma_start3A_662 = arith.constant 0 : i32
    %dma_start3A_663 = tpu.memref_slice %arg4[%add3A_659, %dma_start3A_662] : memref<16384x768xf32, #tpu.memory_space<hbm>> -> memref<16x768xf32, #tpu.memory_space<hbm>>
    tpu.enqueue_dma source(%arg9 : memref<16x768xf32, #tpu.memory_space<vmem>>) target(%dma_start3A_663 : memref<16x768xf32, #tpu.memory_space<hbm>>) target_semaphore(%arg26 : memref<!tpu.dma_semaphore, #tpu.memory_space<semaphore_mem>>)
    %add3A_664 = arith.constant 368 : i32
    %add3A_665 = arith.addi %mul3A_2, %add3A_664 : i32
    %dma_wait3A_666 = arith.constant 0 : i32
    %dma_wait3A_667 = tpu.memref_slice %arg4[%add3A_665, %dma_wait3A_666] : memref<16384x768xf32, #tpu.memory_space<hbm>> -> memref<16x768xf32, #tpu.memory_space<hbm>>
    %dma_wait3A_668 = arith.constant 0 : i32
    %dma_wait3A_669 = tpu.memref_slice %arg4[%add3A_665, %dma_wait3A_668] : memref<16384x768xf32, #tpu.memory_space<hbm>> -> memref<16x768xf32, #tpu.memory_space<hbm>>
    tpu.wait_dma2 semaphore(%arg30 : memref<!tpu.dma_semaphore, #tpu.memory_space<semaphore_mem>>) src(%arg13 : memref<16x768xf32, #tpu.memory_space<vmem>>) dst(%dma_wait3A_669 : memref<16x768xf32, #tpu.memory_space<hbm>>)
    %get3A_670 = arith.constant 496 : index
    %get3A_671 = tpu.vector_load %arg5[%get3A_670] {strides = array<i32>} : memref<512xi32, #tpu.memory_space<vmem>>, vector<16xi32>,
    %get3A_672 = vector.shape_cast %get3A_671 : vector<16xi32> to vector<16xi32>
    %dma_start3A_673 = arith.constant 0 : i32
    %dma_start3A_674 = arith.constant 0 : i32
    %dma_start3A_675 = tpu.memref_slice %arg3[%dma_start3A_673, %dma_start3A_674] : memref<100000x768xf32, #tpu.memory_space<hbm>> -> memref<100000x768xf32, #tpu.memory_space<hbm>>
    tpu.enqueue_indirect_dma source(%dma_start3A_675 : memref<100000x768xf32, #tpu.memory_space<hbm>>) target(%arg13 : memref<16x768xf32, #tpu.memory_space<vmem>>) offsets(%get3A_672 : vector<16xi32>) semaphore(%arg22 : memref<!tpu.dma_semaphore, #tpu.memory_space<semaphore_mem>>)
    %get3A_676 = arith.constant 448 : index
    %get3A_677 = tpu.vector_load %arg5[%get3A_676] {strides = array<i32>} : memref<512xi32, #tpu.memory_space<vmem>>, vector<16xi32>,
    %get3A_678 = vector.shape_cast %get3A_677 : vector<16xi32> to vector<16xi32>
    %dma_wait3A_679 = arith.constant 0 : i32
    %dma_wait3A_680 = arith.constant 0 : i32
    %dma_wait3A_681 = tpu.memref_slice %arg3[%dma_wait3A_679, %dma_wait3A_680] : memref<100000x768xf32, #tpu.memory_space<hbm>> -> memref<100000x768xf32, #tpu.memory_space<hbm>>
    tpu.wait_indirect_dma semaphore(%arg19 : memref<!tpu.dma_semaphore, #tpu.memory_space<semaphore_mem>>) src(%dma_wait3A_681 : memref<100000x768xf32, #tpu.memory_space<hbm>>) dst(%arg10 : memref<16x768xf32, #tpu.memory_space<vmem>>)
    %add3A_682 = arith.constant 448 : i32
    %add3A_683 = arith.addi %mul3A_2, %add3A_682 : i32
    %dma_start3A_684 = arith.constant 0 : i32
    %dma_start3A_685 = tpu.memref_slice %arg4[%add3A_683, %dma_start3A_684] : memref<16384x768xf32, #tpu.memory_space<hbm>> -> memref<16x768xf32, #tpu.memory_space<hbm>>
    %dma_start3A_686 = arith.constant 0 : i32
    %dma_start3A_687 = tpu.memref_slice %arg4[%add3A_683, %dma_start3A_686] : memref<16384x768xf32, #tpu.memory_space<hbm>> -> memref<16x768xf32, #tpu.memory_space<hbm>>
    tpu.enqueue_dma source(%arg10 : memref<16x768xf32, #tpu.memory_space<vmem>>) target(%dma_start3A_687 : memref<16x768xf32, #tpu.memory_space<hbm>>) target_semaphore(%arg27 : memref<!tpu.dma_semaphore, #tpu.memory_space<semaphore_mem>>)
    %add3A_688 = arith.constant 384 : i32
    %add3A_689 = arith.addi %mul3A_2, %add3A_688 : i32
    %dma_wait3A_690 = arith.constant 0 : i32
    %dma_wait3A_691 = tpu.memref_slice %arg4[%add3A_689, %dma_wait3A_690] : memref<16384x768xf32, #tpu.memory_space<hbm>> -> memref<16x768xf32, #tpu.memory_space<hbm>>
    %dma_wait3A_692 = arith.constant 0 : i32
    %dma_wait3A_693 = tpu.memref_slice %arg4[%add3A_689, %dma_wait3A_692] : memref<16384x768xf32, #tpu.memory_space<hbm>> -> memref<16x768xf32, #tpu.memory_space<hbm>>
    tpu.wait_dma2 semaphore(%arg23 : memref<!tpu.dma_semaphore, #tpu.memory_space<semaphore_mem>>) src(%arg6 : memref<16x768xf32, #tpu.memory_space<vmem>>) dst(%dma_wait3A_693 : memref<16x768xf32, #tpu.memory_space<hbm>>)
    %get3A_694 = arith.constant 464 : index
    %get3A_695 = tpu.vector_load %arg5[%get3A_694] {strides = array<i32>} : memref<512xi32, #tpu.memory_space<vmem>>, vector<16xi32>,
    %get3A_696 = vector.shape_cast %get3A_695 : vector<16xi32> to vector<16xi32>
    %dma_wait3A_697 = arith.constant 0 : i32
    %dma_wait3A_698 = arith.constant 0 : i32
    %dma_wait3A_699 = tpu.memref_slice %arg3[%dma_wait3A_697, %dma_wait3A_698] : memref<100000x768xf32, #tpu.memory_space<hbm>> -> memref<100000x768xf32, #tpu.memory_space<hbm>>
    tpu.wait_indirect_dma semaphore(%arg20 : memref<!tpu.dma_semaphore, #tpu.memory_space<semaphore_mem>>) src(%dma_wait3A_699 : memref<100000x768xf32, #tpu.memory_space<hbm>>) dst(%arg11 : memref<16x768xf32, #tpu.memory_space<vmem>>)
    %add3A_700 = arith.constant 464 : i32
    %add3A_701 = arith.addi %mul3A_2, %add3A_700 : i32
    %dma_start3A_702 = arith.constant 0 : i32
    %dma_start3A_703 = tpu.memref_slice %arg4[%add3A_701, %dma_start3A_702] : memref<16384x768xf32, #tpu.memory_space<hbm>> -> memref<16x768xf32, #tpu.memory_space<hbm>>
    %dma_start3A_704 = arith.constant 0 : i32
    %dma_start3A_705 = tpu.memref_slice %arg4[%add3A_701, %dma_start3A_704] : memref<16384x768xf32, #tpu.memory_space<hbm>> -> memref<16x768xf32, #tpu.memory_space<hbm>>
    tpu.enqueue_dma source(%arg11 : memref<16x768xf32, #tpu.memory_space<vmem>>) target(%dma_start3A_705 : memref<16x768xf32, #tpu.memory_space<hbm>>) target_semaphore(%arg28 : memref<!tpu.dma_semaphore, #tpu.memory_space<semaphore_mem>>)
    %add3A_706 = arith.constant 400 : i32
    %add3A_707 = arith.addi %mul3A_2, %add3A_706 : i32
    %dma_wait3A_708 = arith.constant 0 : i32
    %dma_wait3A_709 = tpu.memref_slice %arg4[%add3A_707, %dma_wait3A_708] : memref<16384x768xf32, #tpu.memory_space<hbm>> -> memref<16x768xf32, #tpu.memory_space<hbm>>
    %dma_wait3A_710 = arith.constant 0 : i32
    %dma_wait3A_711 = tpu.memref_slice %arg4[%add3A_707, %dma_wait3A_710] : memref<16384x768xf32, #tpu.memory_space<hbm>> -> memref<16x768xf32, #tpu.memory_space<hbm>>
    tpu.wait_dma2 semaphore(%arg24 : memref<!tpu.dma_semaphore, #tpu.memory_space<semaphore_mem>>) src(%arg7 : memref<16x768xf32, #tpu.memory_space<vmem>>) dst(%dma_wait3A_711 : memref<16x768xf32, #tpu.memory_space<hbm>>)
    %get3A_712 = arith.constant 480 : index
    %get3A_713 = tpu.vector_load %arg5[%get3A_712] {strides = array<i32>} : memref<512xi32, #tpu.memory_space<vmem>>, vector<16xi32>,
    %get3A_714 = vector.shape_cast %get3A_713 : vector<16xi32> to vector<16xi32>
    %dma_wait3A_715 = arith.constant 0 : i32
    %dma_wait3A_716 = arith.constant 0 : i32
    %dma_wait3A_717 = tpu.memref_slice %arg3[%dma_wait3A_715, %dma_wait3A_716] : memref<100000x768xf32, #tpu.memory_space<hbm>> -> memref<100000x768xf32, #tpu.memory_space<hbm>>
    tpu.wait_indirect_dma semaphore(%arg21 : memref<!tpu.dma_semaphore, #tpu.memory_space<semaphore_mem>>) src(%dma_wait3A_717 : memref<100000x768xf32, #tpu.memory_space<hbm>>) dst(%arg12 : memref<16x768xf32, #tpu.memory_space<vmem>>)
    %add3A_718 = arith.constant 480 : i32
    %add3A_719 = arith.addi %mul3A_2, %add3A_718 : i32
    %dma_start3A_720 = arith.constant 0 : i32
    %dma_start3A_721 = tpu.memref_slice %arg4[%add3A_719, %dma_start3A_720] : memref<16384x768xf32, #tpu.memory_space<hbm>> -> memref<16x768xf32, #tpu.memory_space<hbm>>
    %dma_start3A_722 = arith.constant 0 : i32
    %dma_start3A_723 = tpu.memref_slice %arg4[%add3A_719, %dma_start3A_722] : memref<16384x768xf32, #tpu.memory_space<hbm>> -> memref<16x768xf32, #tpu.memory_space<hbm>>
    tpu.enqueue_dma source(%arg12 : memref<16x768xf32, #tpu.memory_space<vmem>>) target(%dma_start3A_723 : memref<16x768xf32, #tpu.memory_space<hbm>>) target_semaphore(%arg29 : memref<!tpu.dma_semaphore, #tpu.memory_space<semaphore_mem>>)
    %add3A_724 = arith.constant 416 : i32
    %add3A_725 = arith.addi %mul3A_2, %add3A_724 : i32
    %dma_wait3A_726 = arith.constant 0 : i32
    %dma_wait3A_727 = tpu.memref_slice %arg4[%add3A_725, %dma_wait3A_726] : memref<16384x768xf32, #tpu.memory_space<hbm>> -> memref<16x768xf32, #tpu.memory_space<hbm>>
    %dma_wait3A_728 = arith.constant 0 : i32
    %dma_wait3A_729 = tpu.memref_slice %arg4[%add3A_725, %dma_wait3A_728] : memref<16384x768xf32, #tpu.memory_space<hbm>> -> memref<16x768xf32, #tpu.memory_space<hbm>>
    tpu.wait_dma2 semaphore(%arg25 : memref<!tpu.dma_semaphore, #tpu.memory_space<semaphore_mem>>) src(%arg8 : memref<16x768xf32, #tpu.memory_space<vmem>>) dst(%dma_wait3A_729 : memref<16x768xf32, #tpu.memory_space<hbm>>)
    %get3A_730 = arith.constant 496 : index
    %get3A_731 = tpu.vector_load %arg5[%get3A_730] {strides = array<i32>} : memref<512xi32, #tpu.memory_space<vmem>>, vector<16xi32>,
    %get3A_732 = vector.shape_cast %get3A_731 : vector<16xi32> to vector<16xi32>
    %dma_wait3A_733 = arith.constant 0 : i32
    %dma_wait3A_734 = arith.constant 0 : i32
    %dma_wait3A_735 = tpu.memref_slice %arg3[%dma_wait3A_733, %dma_wait3A_734] : memref<100000x768xf32, #tpu.memory_space<hbm>> -> memref<100000x768xf32, #tpu.memory_space<hbm>>
    tpu.wait_indirect_dma semaphore(%arg22 : memref<!tpu.dma_semaphore, #tpu.memory_space<semaphore_mem>>) src(%dma_wait3A_735 : memref<100000x768xf32, #tpu.memory_space<hbm>>) dst(%arg13 : memref<16x768xf32, #tpu.memory_space<vmem>>)
    %add3A_736 = arith.constant 496 : i32
    %add3A_737 = arith.addi %mul3A_2, %add3A_736 : i32
    %dma_start3A_738 = arith.constant 0 : i32
    %dma_start3A_739 = tpu.memref_slice %arg4[%add3A_737, %dma_start3A_738] : memref<16384x768xf32, #tpu.memory_space<hbm>> -> memref<16x768xf32, #tpu.memory_space<hbm>>
    %dma_start3A_740 = arith.constant 0 : i32
    %dma_start3A_741 = tpu.memref_slice %arg4[%add3A_737, %dma_start3A_740] : memref<16384x768xf32, #tpu.memory_space<hbm>> -> memref<16x768xf32, #tpu.memory_space<hbm>>
    tpu.enqueue_dma source(%arg13 : memref<16x768xf32, #tpu.memory_space<vmem>>) target(%dma_start3A_741 : memref<16x768xf32, #tpu.memory_space<hbm>>) target_semaphore(%arg30 : memref<!tpu.dma_semaphore, #tpu.memory_space<semaphore_mem>>)
    %add3A_742 = arith.constant 432 : i32
    %add3A_743 = arith.addi %mul3A_2, %add3A_742 : i32
    %dma_wait3A_744 = arith.constant 0 : i32
    %dma_wait3A_745 = tpu.memref_slice %arg4[%add3A_743, %dma_wait3A_744] : memref<16384x768xf32, #tpu.memory_space<hbm>> -> memref<16x768xf32, #tpu.memory_space<hbm>>
    %dma_wait3A_746 = arith.constant 0 : i32
    %dma_wait3A_747 = tpu.memref_slice %arg4[%add3A_743, %dma_wait3A_746] : memref<16384x768xf32, #tpu.memory_space<hbm>> -> memref<16x768xf32, #tpu.memory_space<hbm>>
    tpu.wait_dma2 semaphore(%arg26 : memref<!tpu.dma_semaphore, #tpu.memory_space<semaphore_mem>>) src(%arg9 : memref<16x768xf32, #tpu.memory_space<vmem>>) dst(%dma_wait3A_747 : memref<16x768xf32, #tpu.memory_space<hbm>>)
    %add3A_748 = arith.constant 448 : i32
    %add3A_749 = arith.addi %mul3A_2, %add3A_748 : i32
    %dma_wait3A_750 = arith.constant 0 : i32
    %dma_wait3A_751 = tpu.memref_slice %arg4[%add3A_749, %dma_wait3A_750] : memref<16384x768xf32, #tpu.memory_space<hbm>> -> memref<16x768xf32, #tpu.memory_space<hbm>>
    %dma_wait3A_752 = arith.constant 0 : i32
    %dma_wait3A_753 = tpu.memref_slice %arg4[%add3A_749, %dma_wait3A_752] : memref<16384x768xf32, #tpu.memory_space<hbm>> -> memref<16x768xf32, #tpu.memory_space<hbm>>
    tpu.wait_dma2 semaphore(%arg27 : memref<!tpu.dma_semaphore, #tpu.memory_space<semaphore_mem>>) src(%arg10 : memref<16x768xf32, #tpu.memory_space<vmem>>) dst(%dma_wait3A_753 : memref<16x768xf32, #tpu.memory_space<hbm>>)
    %add3A_754 = arith.constant 464 : i32
    %add3A_755 = arith.addi %mul3A_2, %add3A_754 : i32
    %dma_wait3A_756 = arith.constant 0 : i32
    %dma_wait3A_757 = tpu.memref_slice %arg4[%add3A_755, %dma_wait3A_756] : memref<16384x768xf32, #tpu.memory_space<hbm>> -> memref<16x768xf32, #tpu.memory_space<hbm>>
    %dma_wait3A_758 = arith.constant 0 : i32
    %dma_wait3A_759 = tpu.memref_slice %arg4[%add3A_755, %dma_wait3A_758] : memref<16384x768xf32, #tpu.memory_space<hbm>> -> memref<16x768xf32, #tpu.memory_space<hbm>>
    tpu.wait_dma2 semaphore(%arg28 : memref<!tpu.dma_semaphore, #tpu.memory_space<semaphore_mem>>) src(%arg11 : memref<16x768xf32, #tpu.memory_space<vmem>>) dst(%dma_wait3A_759 : memref<16x768xf32, #tpu.memory_space<hbm>>)
    %add3A_760 = arith.constant 480 : i32
    %add3A_761 = arith.addi %mul3A_2, %add3A_760 : i32
    %dma_wait3A_762 = arith.constant 0 : i32
    %dma_wait3A_763 = tpu.memref_slice %arg4[%add3A_761, %dma_wait3A_762] : memref<16384x768xf32, #tpu.memory_space<hbm>> -> memref<16x768xf32, #tpu.memory_space<hbm>>
    %dma_wait3A_764 = arith.constant 0 : i32
    %dma_wait3A_765 = tpu.memref_slice %arg4[%add3A_761, %dma_wait3A_764] : memref<16384x768xf32, #tpu.memory_space<hbm>> -> memref<16x768xf32, #tpu.memory_space<hbm>>
    tpu.wait_dma2 semaphore(%arg29 : memref<!tpu.dma_semaphore, #tpu.memory_space<semaphore_mem>>) src(%arg12 : memref<16x768xf32, #tpu.memory_space<vmem>>) dst(%dma_wait3A_765 : memref<16x768xf32, #tpu.memory_space<hbm>>)
    %add3A_766 = arith.constant 496 : i32
    %add3A_767 = arith.addi %mul3A_2, %add3A_766 : i32
    %dma_wait3A_768 = arith.constant 0 : i32
    %dma_wait3A_769 = tpu.memref_slice %arg4[%add3A_767, %dma_wait3A_768] : memref<16384x768xf32, #tpu.memory_space<hbm>> -> memref<16x768xf32, #tpu.memory_space<hbm>>
    %dma_wait3A_770 = arith.constant 0 : i32
    %dma_wait3A_771 = tpu.memref_slice %arg4[%add3A_767, %dma_wait3A_770] : memref<16384x768xf32, #tpu.memory_space<hbm>> -> memref<16x768xf32, #tpu.memory_space<hbm>>
    tpu.wait_dma2 semaphore(%arg30 : memref<!tpu.dma_semaphore, #tpu.memory_space<semaphore_mem>>) src(%arg13 : memref<16x768xf32, #tpu.memory_space<vmem>>) dst(%dma_wait3A_771 : memref<16x768xf32, #tpu.memory_space<hbm>>)
    return
  }
}

module attributes {stable_mosaic.version = 14 : i64} {
  func.func @add_kernel(%arg0: i32, %arg1: memref<2048x768xf32, #tpu.memory_space<vmem>>, %arg2: memref<4096x768xf32, #tpu.memory_space<vmem>>, %arg3: memref<2048x768xf32, #tpu.memory_space<vmem>>) attributes {dimension_semantics = [#tpu.dimension_semantics<parallel>], iteration_bounds = array<i64: 8>, scalar_prefetch = 0 : i64, scratch_operands = 0 : i64, tpu.core_type = #tpu.core_type<tc>, window_params = [{transform_indices = @transform_0, window_bounds = array<i64: 2048, 768>}, {pipeline_mode = #tpu.pipeline_mode<synchronous>, transform_indices = @transform_1, window_bounds = array<i64: 4096, 768>}, {transform_indices = @transform_2, window_bounds = array<i64: 2048, 768>}]} {
    %jit3A = arith.constant 2 : i32
    %eq3A = arith.constant 0 : i32
    %eq3A_0 = arith.cmpi eq, %jit3A, %eq3A : i32
    %jit3A_1 = arith.constant 1 : i32
    %select_n3A = arith.select %eq3A_0, %jit3A_1, %jit3A : i32
    %rem3A = arith.remsi %arg0, %select_n3A : i32
    %ne3A = arith.constant 0 : i32
    %ne3A_2 = arith.cmpi ne, %rem3A, %ne3A : i32
    %lt3A = arith.constant 0 : i32
    %lt3A_3 = arith.cmpi slt, %rem3A, %lt3A : i32
    %lt3A_4 = arith.constant 0 : i32
    %lt3A_5 = arith.cmpi slt, %select_n3A, %lt3A_4 : i32
    %ne3A_6 = arith.xori %lt3A_3, %lt3A_5 : i1
    %and3A = arith.andi %ne3A_6, %ne3A_2 : i1
    %add3A = arith.addi %rem3A, %select_n3A : i32
    %select_n3A_7 = arith.select %and3A, %add3A, %rem3A : i32
    %get3A = arith.constant 0 : index
    %get3A_8 = arith.constant 0 : index
    %get3A_9 = vector.load %arg1[%get3A, %get3A_8] : memref<2048x768xf32, #tpu.memory_space<vmem>>, vector<2048x768xf32>
    %mul3A = arith.constant 2048 : i32
    %mul3A_10 = arith.muli %select_n3A_7, %mul3A : i32
    %get3A_11 = arith.index_cast %mul3A_10 : i32 to index
    %get3A_12 = arith.constant 0 : index
    %get3A_13 = vector.load %arg2[%get3A_11, %get3A_12] : memref<4096x768xf32, #tpu.memory_space<vmem>>, vector<2048x768xf32>
    %add3A_14 = arith.addf %get3A_9, %get3A_13 : vector<2048x768xf32>
    %swap3A = arith.constant 0 : index
    %swap3A_15 = arith.constant 0 : index
    %swap3A_16 = vector.load %arg3[%swap3A, %swap3A_15] : memref<2048x768xf32, #tpu.memory_space<vmem>>, vector<2048x768xf32>
    tpu.vector_store %arg3[%swap3A, %swap3A_15], %add3A_14 {strides = array<i32>} : memref<2048x768xf32, #tpu.memory_space<vmem>>, vector<2048x768xf32>,
    return
  }
  func.func @transform_0(%arg0: i32) -> (i32, i32) {
    %c0_i32 = arith.constant 0 : i32
    %c0_i32_0 = arith.constant 0 : i32
    return %arg0, %c0_i32 : i32, i32
  }
  func.func @transform_1(%arg0: i32) -> (i32, i32) {
    %c0_i32 = arith.constant 0 : i32
    %c0_i32_0 = arith.constant 0 : i32
    %c0_i32_1 = arith.constant 0 : i32
    return %c0_i32, %c0_i32_0 : i32, i32
  }
  func.func @transform_2(%arg0: i32) -> (i32, i32) {
    %c0_i32 = arith.constant 0 : i32
    %c0_i32_0 = arith.constant 0 : i32
    return %arg0, %c0_i32 : i32, i32
  }
}

</mosaic_0001>

<sc_bundles>
// kernel: kernel.4.cloned.1.call-start
scs
__scs_entry_jumppad:
0x0: {  	(pc) =	sbr.rel $0x88, $3  }
0x1: {  	(tag) =	ssettag $0x0;
	lr =	simm.s32 $0x1  }
0x2: {  	[smem:$0x3F9F] =	sst lr;
	_ =	strace $0xD0000000  }
0x3: {  	_ = 	snop  }
0x4: {  	_ = 	snop  }
0x5: {  	_ = 	snop  }
0x6: {  	_ = 	snop  }
0x7: {  	_ = 	snop  }
__scs_overlays_trampoline_lowered:
0x8: {  	[smem:$0x3FAE] =	sst s0  }
0x9: {  	[smem:$0x3FAF] =	sst s1  }
0xa: {  	[smem:$0x3FB0] =	sst s2  }
0xb: {  	[smem:$0x3FB1] =	sst s3  }
0xc: {  	[smem:$0x3FB2] =	sst s4  }
0xd: {  	[smem:$0x3FB3] =	sst s5  }
0xe: {  	[smem:$0x3FB4] =	sst s6  }
0xf: {  	[smem:$0x3FB5] =	sst s7  }
0x10: {  	[smem:$0x3FB6] =	sst s8  }
0x11: {  	[smem:$0x3FB7] =	sst s9;
	s0 =	simm.s32 @!p0 $0x0  }
0x12: {  	s1 =	sld [smem:$0x3F9D];
	s0 =	simm.s32 @p0 $0x1  }
0x13: {  	[smem:$0x3FB8] =	sst s0;
	s0 =	simm.s32 @!p1 $0x0  }
0x14: {  	s2 =	sld [smem:$0x3F9C];
	s0 =	simm.s32 @p1 $0x1  }
0x15: {  	[smem:$0x3FB9] =	sst s0;
	s0 =	simm.s32 @!p2 $0x0  }
0x16: {  	s3 =	sld [smem:$0x3FDB];
	s0 =	simm.s32 @p2 $0x1  }
0x17: {  	s4 =	simm.s32 $0x1BF5;
	[smem:$0x3FBB] =	sst s0  }
0x18: {  	s0 =	sld [smem:$0x3F9E];
	_ =	swait.ge [sflag:s4], $0x0  }
0x19: {  	s7 =	sld [smem:$0x3F9F]  }
0x1a: {  	s8 =	sadd.s32 $0xFFFFE003, lr  }
0x1b: {  	s9 =	sadd.s32 $0xFFFFFEF7, lr;
	s5 =	simm.s32 $0xFFFFFFFF;
	p2 =	slt.u32 s8, $0xFFFFF086  }
0x1c: {  	p1 =	slt.u32 s9, $0xF7A;
	s5 =	simm.s32 @!p2 $0x0  }
0x1d: {  	s5 =	simm.s32 @p1 $0x1;
	p0 =	seq.s32 s7, s2  }
0x1e: {  	s7 =	smul.u32 @!p0 $0xF7A, s2;
	p2 =	seq.s32 @!p0 s5, $0x0  }
0x1f: {  	s9 =	smul.u32 $0xF7A, s1;
	s8 =	simm.s32 @!p0 $0x1BF5;
	p2 =	por !p2, p0  }
0x20: {  	[sflag:s8] =	ssyncset.s32 @!p0 $0xFFFFF086;
	s6 =	sadd.s32 @!p0 s3, s7;
	s7 =	simm.s32 @!p0 $0x108  }
0x21: {  	s3 =	sadd.s32 s3, s9;
	s6 =	sadd.s32 @!p0 $0x88, s6;
	s7 =	simm.s32 @p2 $0x1082  }
0x22: {  	[simem:s7], [sflag:s8] =	dma.local @!p0 [hbm:s6], $0xF7A  }
0x23: {  	s9 =	sor.u32 $0xD0000000, s2;
	s6 =	simm.s32 $0x108;
	_ =	swait.ge @!p0 [sflag:s8], $0x0  }
0x24: {  	s3 =	sadd.s32 $0x88, s3;
	s6 =	simm.s32 @!p1 $0x1082;
	[sflag:s4] =	ssyncset.s32 $0xFFFFF086  }
0x25: {  	[simem:s6], [sflag:s4] =	dma.local [hbm:s3], $0xF7A  }
0x26: {  	[smem:$0x3F9F] =	sst s1;
	(tag) =	ssettag s2;
	_ =	strace s9  }
0x27: {  	s1 =	sld [smem:$0x3FAF]  }
0x28: {  	s2 =	sld [smem:$0x3FB0]  }
0x29: {  	s4 =	sld [smem:$0x3FB2]  }
0x2a: {  	p0 =	seq.s32 s5, $0x0;
	s5 =	sld [smem:$0x3FB3]  }
0x2b: {  	s6 =	sld [smem:$0x3FB4]  }
0x2c: {  	s7 =	sld [smem:$0x3FB5]  }
0x2d: {  	s3 =	simm.s32 $0x108;
	s8 =	sld [smem:$0x3FB6]  }
0x2e: {  	s3 =	simm.s32 @!p0 $0x1082;
	s9 =	sld [smem:$0x3FB7]  }
0x2f: {  	lr =	sadd.s32 s0, s3;
	s0 =	sld [smem:$0x3FAE]  }
0x30: {  	s3 =	sld [smem:$0x3FB1]  }
0x31: {  	[smem:$0x3FBA] =	sst s10  }
0x32: {  	s10 =	sld [smem:$0x3FB8];
	_ =	sdelay $0x3  }
0x33: {  	p0 =	seq.s32 s10, $0x1;
	s10 =	sld [smem:$0x3FBA];
	_ =	sdelay $0x3  }
0x34: {  	[smem:$0x3FBA] =	sst s10  }
0x35: {  	s10 =	sld [smem:$0x3FB9];
	_ =	sdelay $0x3  }
0x36: {  	p1 =	seq.s32 s10, $0x1;
	s10 =	sld [smem:$0x3FBA];
	_ =	sdelay $0x3  }
0x37: {  	[smem:$0x3FBA] =	sst s10  }
0x38: {  	s10 =	sld [smem:$0x3FBB]  }
0x39: {  	_ = 	snop;
	(pc) =	sbr.ind lr, $3  }
0x3a: {  	_ = 	snop  }
0x3b: {  	_ = 	snop  }
0x3c: {  	p2 =	seq.s32 s10, $0x1;
	s10 =	sld [smem:$0x3FBA]  }
0x3d: {  	_ =	shalt  }
0x3e: {  	_ =	shalt  }
0x3f: {  	_ =	shalt  }
0x40: {  	_ =	shalt  }
0x41: {  	_ =	shalt  }
0x42: {  	_ =	shalt  }
0x43: {  	_ =	shalt  }
0x44: {  	_ =	shalt  }
0x45: {  	_ =	shalt  }
0x46: {  	_ =	shalt  }
0x47: {  	_ =	shalt  }
0x48: {  	_ =	shalt  }
0x49: {  	_ =	shalt  }
0x4a: {  	_ =	shalt  }
0x4b: {  	_ =	shalt  }
0x4c: {  	_ =	shalt  }
0x4d: {  	_ =	shalt  }
0x4e: {  	_ =	shalt  }
0x4f: {  	_ =	shalt  }
0x50: {  	_ =	shalt  }
0x51: {  	_ =	shalt  }
0x52: {  	_ =	shalt  }
0x53: {  	_ =	shalt  }
0x54: {  	_ =	shalt  }
0x55: {  	_ =	shalt  }
0x56: {  	_ =	shalt  }
0x57: {  	_ =	shalt  }
0x58: {  	_ =	shalt  }
0x59: {  	_ =	shalt  }
0x5a: {  	_ =	shalt  }
0x5b: {  	_ =	shalt  }
0x5c: {  	_ =	shalt  }
0x5d: {  	_ =	shalt  }
0x5e: {  	_ =	shalt  }
0x5f: {  	_ =	shalt  }
0x60: {  	_ =	shalt  }
0x61: {  	_ =	shalt  }
0x62: {  	_ =	shalt  }
0x63: {  	_ =	shalt  }
0x64: {  	_ =	shalt  }
0x65: {  	_ =	shalt  }
0x66: {  	_ =	shalt  }
0x67: {  	_ =	shalt  }
0x68: {  	_ =	shalt  }
0x69: {  	_ =	shalt  }
0x6a: {  	_ =	shalt  }
0x6b: {  	_ =	shalt  }
0x6c: {  	_ =	shalt  }
0x6d: {  	_ =	shalt  }
0x6e: {  	_ =	shalt  }
0x6f: {  	_ =	shalt  }
0x70: {  	_ =	shalt  }
0x71: {  	_ =	shalt  }
0x72: {  	_ =	shalt  }
0x73: {  	_ =	shalt  }
0x74: {  	_ =	shalt  }
0x75: {  	_ =	shalt  }
0x76: {  	_ =	shalt  }
0x77: {  	_ =	shalt  }
0x78: {  	_ =	shalt  }
0x79: {  	_ =	shalt  }
0x7a: {  	_ =	shalt  }
0x7b: {  	_ =	shalt  }
0x7c: {  	_ =	shalt  }
0x7d: {  	_ =	shalt  }
0x7e: {  	_ =	shalt  }
0x7f: {  	_ =	shalt  }
0x80: {  	_ =	shalt  }
0x81: {  	_ =	shalt  }
0x82: {  	_ =	shalt  }
0x83: {  	_ =	shalt  }
0x84: {  	_ =	shalt  }
0x85: {  	_ =	shalt  }
0x86: {  	_ =	shalt  }
0x87: {  	_ =	shalt  }
.Lfunc_end0:
.L_simem_size_0:
called_computation_lowered:
.L_overlay_start_0:
0x88: {  	s2 =	sld [smem:$0x3FD9]  }
0x89: {  	s3 =	sld [smem:$0x3FFE];
	_ =	sdelay $0x1  }
0x8a: {  	s1 =	srdreg.scid  }
0x8b: {  	s0 =	sand.u32 $0x1, s1  }
0x8c: {  	s17 =	sshll.u32 s0, $0xA;
	s2 =	sadd.s32 s3, s2  }
0x8d: {  	s2 =	sadd.s32 s2, s17  }
0x8e: {  	[smem:$0x3FC6] =	sst s2  }
0x8f: {  	_ = 	snop  }
0x90: {  	s2 =	sld [smem:$0x3FC8]  }
0x91: {  	s18 =	sld [smem:$0x3FD0];
	(tm) =	ssettm $0x1  }
0x92: {  	s4 =	sld [smem:$0x3FFB];
	_ =	sdelay $0x3  }
0x93: {  	_ =	strace s4  }
0x94: {  	s4 =	sld [smem:$0x3FFC];
	_ =	sdelay $0x3  }
0x95: {  	_ =	strace s4  }
0x96: {  	s4 =	sld [smem:$0x3FFD];
	_ =	sdelay $0x3  }
0x97: {  	_ =	strace s4  }
0x98: {  	_ =	strace $0x8FFFFFFF  }
0x99: {  	s19 =	sld [smem:$0x3FDB];
	_ =	sdelay $0x1  }
0x9a: {  	s5 =	simm.s32 $_scs_section_size  }
0x9b: {  	s6 =	simm.s32 $_size__tile_overlayer_lowered;
	s7 =	simm.s32 $_tile_overlayer_lowered  }
0x9c: {  	s22 =	simm.s32 $0x1BFF;
	s21 =	sshll.u32 s7, $0x1;
	s4 =	sadd.s32 s5, s19  }
0x9d: {  	s8 =	simm.s32 $0x0;
	s20 =	sshll.u32 s6, $0x1;
	s6 =	sadd.s32 s21, s4  }
0x9e: {  	[timem:s8], [sflag:s22] =	dma.local [hbm:s6], s20  }
0x9f: {  	_ =	swait.ge [sflag:s22], s20  }
0xa0: {  	s5 =	ssub.s32 $0x0, s20;
	[sflag:s22] =	ssyncset.done $0x0  }
0xa1: {  	[sflag:s22] =	ssyncadd.s32 s5;
	_ =	sdelay $0x1  }
0xa2: {  	s23 =	simm.s32 $0x1B8B  }
0xa3: {  	_ =	swait.ge [sflag:s23], $0x1  }
0xa4: {  	[sflag:s23] =	ssyncset.done $0x0  }
0xa5: {  	s25 =	simm.s32 $0x1B8E;
	s24 =	sld [smem:$0x3FFE];
	[sflag:s23] =	ssyncadd.s32 $0xFFFFFFFF  }
0xa6: {  	s26 =	simm.s32 $execute0_lowered;
	[smem:$0x3FD2] =	sst s25  }
0xa7: {  	s6 =	sshll.u32 s26, $0x1;
	_ =	strace $0x80000046;
	[dreg:$0x1] =	wrdreg $0xFFFFFFFF  }
0xa8: {  	s28 =	simm.s32 $_size_execute0_lowered;
	s4 =	sadd.s32 s4, s6;
	[dreg:$0x0] =	wrdreg $0x0  }
0xa9: {  	s6 =	sshll.u32 s28, $0x1;
	[dreg:$0x2] =	wrdreg s4  }
0xaa: {  	[dreg:$0x3] =	wrdreg s6  }
0xab: {  	[dreg:$0x4] =	wrdreg $0xC0  }
0xac: {  	_ =	task [dreg:s8], $0x5FFFF  }
0xad: {  	[dreg:$0x1] =	wrdreg $0xFFFFFFFF  }
0xae: {  	[dreg:$0x0] =	wrdreg $0x60  }
0xaf: {  	[dreg:$0x2] =	wrdreg s18  }
0xb0: {  	[dreg:$0x3] =	wrdreg s2  }
0xb1: {  	[dreg:$0x4] =	wrdreg s24  }
0xb2: {  	[dreg:$0x5] =	wrdreg $0x9  }
0xb3: {  	_ =	task.clear_ibuf [dreg:s8], $0x6FFFF;
	_ =	strace $0x90000046  }
0xb4: {  	s29 =	simm.s32 $0x9;
	_ =	strace $0x80000048  }
0xb5: {  	_ =	swait.ge [sflag:s29], $0x1  }
0xb6: {  	[sflag:s29] =	ssyncadd.s32 $0xFFFFFFFF  }
0xb7: {  	_ =	strace $0x90000048  }
0xb8: {  	_ =	sfence  }
0xb9: {  	s30 =	sld [smem:$0x0];
	_ =	sdelay $0x2  }
0xba: {  	s31 =	sshll.u32 s1, $0xD;
	s1 =	sshrl.u32 s1, $0x2  }
0xbb: {  	s3 =	sand.u32 $0x4000, s31;
	s1 =	sadd.s32 s1, s30  }
0xbc: {  	s0 =	sor.u32 s3, s0;
	s1 =	sshll.u32 s1, $0x11  }
0xbd: {  	s0 =	sor.u32 s1, s0  }
0xbe: {  	s0 =	sadd.s32 $0x8F2B, s0  }
0xbf: {  	[sflag:s0] =	ssyncadd.remote.s32 $0x1  }
0xc0: {  	_ =	sfence.sel $0xFFFF  }
0xc1: {  	[dreg:$0x0] =	wrdreg $0xFFFFFFFF;
	(pc) =	sbr.abs _section_cstart, $3  }
0xc2: {  	[dreg:$0x1] =	wrdreg $0xFFFFFFFF  }
0xc3: {  	_ =	task.clear_ibuf [dreg:s8], $0x2FFFF;
	_ =	strace $0x9FFFFFFF  }
0xc4: {  	(tm) =	ssettm $0x7FFFFFFF  }
0xc5: {  	_ =	shalt  }
tec
execute0_lowered:
.L_overlay_start_1:
0x0: {  	(tag) =	ssettag $0x1  }
0x1: {  	s0 =	srdreg.scid  }
0x2: {  	s4 =	stileid.u32;
	s0 =	sand.u32 $0x1, s0  }
0x3: {  	s1 =	rddreg [dreg:$0x0];
	s4 =	sshll.u32 s4, $0x6;
	s3 =	sshll.u32 s0, $0xA  }
0x4: {  	s2 =	rddreg [dreg:$0x1];
	s4 =	sor.u32 s4, s3  }
0x5: {  	s5 =	rddreg [dreg:$0x2];
	s3 =	simm.s32 $0x0;
	s6 =	smul.u32 $0x300, s4  }
0x6: {  	s5 =	sadd.s32 $0x600, s5;
	[smem:$0x7FF] =	sst s3;
	s1 =	sadd.s32 s1, s4  }
0x7: {  	_ =	strace $0x80000047;
	[dreg:$0x4] =	wrdreg s1;
	s6 =	sadd.s32 s5, s6  }
0x8: {  	s23 =	sadd.s32 $0x600, s6;
	[smem:$0x7F9] =	sst s6  }
0x9: {  	s24 =	sadd.s32 $0xC00, s6;
	[dreg:$0x5] =	wrdreg s23  }
0xa: {  	s25 =	sadd.s32 $0x1200, s6;
	[dreg:$0x6] =	wrdreg s24  }
0xb: {  	s26 =	sadd.s32 $0x1800, s6;
	[dreg:$0x7] =	wrdreg s25  }
0xc: {  	s28 =	sadd.s32 $0x1E00, s6;
	[dreg:$0x8] =	wrdreg s26  }
0xd: {  	s29 =	sadd.s32 $0x2400, s6;
	[dreg:$0x9] =	wrdreg s28  }
0xe: {  	s4 =	smul.u32 $0x1800, s4;
	s30 =	sadd.s32 $0x2A00, s6;
	[dreg:$0xa] =	wrdreg s29  }
0xf: {  	s31 =	sadd.s32 $0x3000, s6;
	[dreg:$0xb] =	wrdreg s30  }
0x10: {  	s4 =	sshrl.u32 s4, $0x3;
	s7 =	sadd.s32 $0x3600, s6;
	[dreg:$0xc] =	wrdreg s31  }
0x11: {  	s8 =	sadd.s32 $0x3C00, s6;
	s4 =	sadd.s32 s5, s4;
	[dreg:$0xd] =	wrdreg s7  }
0x12: {  	[dreg:$0xe] =	wrdreg s8;
	s9 =	sadd.s32 $0x4200, s4  }
0x13: {  	s10 =	sadd.s32 $0x4800, s4;
	[dreg:$0xf] =	wrdreg s9  }
0x14: {  	s11 =	sadd.s32 $0x4E00, s4;
	[dreg:$0x10] =	wrdreg s10  }
0x15: {  	s12 =	sadd.s32 $0x5400, s4;
	[dreg:$0x11] =	wrdreg s11  }
0x16: {  	s13 =	sadd.s32 $0x5A00, s4;
	[dreg:$0x12] =	wrdreg s12  }
0x17: {  	s14 =	sadd.s32 $0x6000, s4;
	[dreg:$0x13] =	wrdreg s13  }
0x18: {  	s15 =	sadd.s32 $0x6600, s4;
	[dreg:$0x14] =	wrdreg s14  }
0x19: {  	s16 =	sadd.s32 $0x6C00, s4;
	[dreg:$0x15] =	wrdreg s15  }
0x1a: {  	s17 =	sadd.s32 $0x7200, s4;
	[dreg:$0x16] =	wrdreg s16  }
0x1b: {  	s18 =	sadd.s32 $0x7800, s4;
	[dreg:$0x17] =	wrdreg s17  }
0x1c: {  	s19 =	sadd.s32 $0x7E00, s4;
	[dreg:$0x18] =	wrdreg s18  }
0x1d: {  	s20 =	sadd.s32 $0x8400, s4;
	[dreg:$0x19] =	wrdreg s19  }
0x1e: {  	s21 =	sadd.s32 $0x8A00, s4;
	[dreg:$0x1a] =	wrdreg s20  }
0x1f: {  	s22 =	sadd.s32 $0x9000, s4;
	[dreg:$0x1b] =	wrdreg s21  }
0x20: {  	s23 =	sadd.s32 $0x9600, s4;
	[dreg:$0x1c] =	wrdreg s22  }
0x21: {  	s24 =	sadd.s32 $0x9C00, s4;
	[dreg:$0x1d] =	wrdreg s23  }
0x22: {  	s25 =	sadd.s32 $0xA200, s4;
	[dreg:$0x1e] =	wrdreg s24  }
0x23: {  	s26 =	sadd.s32 $0xA800, s4;
	[dreg:$0x1f] =	wrdreg s25  }
0x24: {  	s0 =	ssub.s32 $0x2, s0;
	s28 =	sadd.s32 $0xAE00, s4;
	[smem:$0x7FA] =	sst s26  }
0x25: {  	s5 =	sadd.s32 $0x100, s2;
	s30 =	sadd.s32 $0xB400, s4;
	[smem:$0x7FB] =	sst s28  }
0x26: {  	s29 =	sshrl.u32 s0, $0x1;
	s31 =	sadd.s32 $0xBA00, s4;
	[smem:$0x7FC] =	sst s30  }
0x27: {  	v2 =	vlaneseq.u32;
	s6 =	sadd.s32 $0x200, s2;
	s0 =	ssub.s32 s0, s29;
	[smem:$0x7FD] =	sst s31  }
0x28: {  	vm0 =	vmmov $0xffff;
	v1 =	vshrl.u32 v2, $0x3;
	s16 =	simm.s32 $0x2;
	s24 =	simm.s32 $0x3;
	s19 =	simm.s32 $0x5  }
0x29: {  	v0 =	vand.u32 $0x7, v2;
	v2 =	vor.u32 $0x8, v2;
	v1 =	vmul.u32 $0x8, v1;
	s20 =	simm.s32 $0x6;
	s22 =	simm.s32 $0xA;
	s0 =	smax.u32 s0, $0x1  }
.LBB2_1:
0x2a: {  	[smem:$0x7F8] =	sst s0  }
0x2b: {  	s14 =	rddreg [dreg:$0x4];
	s12 =	simm.s32 $0x1  }
0x2c: {  	[tilespmem:s3], [sflag:$0x1] =	stream.linear.gather [hbm4b:s14+s3], $0x200, $0x38;
	[tilespmem:$0x18200] =	vst v63  }
0x2d: {  	_ =	swait.ge [sflag:s12], $0x200  }
0x2e: {  	[sflag:s12] =	ssyncset.done $0x0  }
0x2f: {  	[sflag:s12] =	ssyncadd.s32 $0xFFFFFE00  }
0x30: {  	v3 =	vld [tilespmem:$0x0];
	_ =	sdelay $0x4  }
0x31: {  	v4 =	vshrl.u32 v3, $0x3  }
0x32: {  	v4 =	vmul.u32 $0x30, v4  }
0x33: {  	v3 =	vand.u32 $0x7, v3  }
0x34: {  	v3 =	vor.u32 v3, v4  }
0x35: {  	v4 =	vperm.xlane v3, v0;
	_ =	sdelay $0x1  }
0x36: {  	v4 =	vadd.s32 v1, v4;
	_ =	sdelay $0x3  }
0x37: {  	s4 =	simm.s32 $0x200;
	v3 =	vperm.xlane v3, v2  }
0x38: {  	[tilespmem:s4], [sflag:$0x2] =	stream.indirect_vreg.gather [hbm4b:s2+s3], $0x80, v4, vm0, $0xb8;
	[tilespmem:$0x18200] =	vst v63  }
0x39: {  	s13 =	simm.s32 $0xA00;
	v3 =	vadd.s32 v1, v3  }
0x3a: {  	[tilespmem:s13], [sflag:$0x2] =	stream.indirect_vreg.gather [hbm4b:s5+s3], $0x80, v4, vm0, $0xb8;
	[tilespmem:$0x18200] =	vst v63  }
0x3b: {  	s14 =	simm.s32 $0x1200  }
0x3c: {  	[tilespmem:s14], [sflag:$0x2] =	stream.indirect_vreg.gather [hbm4b:s6+s3], $0x80, v4, vm0, $0xb8;
	[tilespmem:$0x18200] =	vst v63  }
0x3d: {  	s15 =	simm.s32 $0x1A00  }
0x3e: {  	[tilespmem:s15], [sflag:$0x2] =	stream.indirect_vreg.gather [hbm4b:s2+s3], $0x80, v3, vm0, $0xb8;
	[tilespmem:$0x18200] =	vst v63  }
0x3f: {  	s17 =	simm.s32 $0x2200  }
0x40: {  	[tilespmem:s17], [sflag:$0x2] =	stream.indirect_vreg.gather [hbm4b:s5+s3], $0x80, v3, vm0, $0xb8;
	[tilespmem:$0x18200] =	vst v63  }
0x41: {  	s25 =	simm.s32 $0x2A00  }
0x42: {  	[tilespmem:s25], [sflag:$0x2] =	stream.indirect_vreg.gather [hbm4b:s6+s3], $0x80, v3, vm0, $0xb8;
	[tilespmem:$0x18200] =	vst v63  }
0x43: {  	v3 =	vld [tilespmem:$0x10];
	_ =	sdelay $0x4  }
0x44: {  	v33 =	vshrl.u32 v3, $0x3  }
0x45: {  	v4 =	vmul.u32 $0x30, v33  }
0x46: {  	v3 =	vand.u32 $0x7, v3  }
0x47: {  	v3 =	vor.u32 v3, v4  }
0x48: {  	v4 =	vperm.xlane v3, v0;
	_ =	sdelay $0x1  }
0x49: {  	v4 =	vadd.s32 v1, v4;
	_ =	sdelay $0x3  }
0x4a: {  	s28 =	simm.s32 $0x3200;
	v3 =	vperm.xlane v3, v2  }
0x4b: {  	[tilespmem:s28], [sflag:$0x3] =	stream.indirect_vreg.gather [hbm4b:s2+s3], $0x80, v4, vm0, $0xb8;
	[tilespmem:$0x18200] =	vst v63  }
0x4c: {  	s29 =	simm.s32 $0x3A00;
	v3 =	vadd.s32 v1, v3  }
0x4d: {  	[tilespmem:s29], [sflag:$0x3] =	stream.indirect_vreg.gather [hbm4b:s5+s3], $0x80, v4, vm0, $0xb8;
	[tilespmem:$0x18200] =	vst v63  }
0x4e: {  	s30 =	simm.s32 $0x4200  }
0x4f: {  	[tilespmem:s30], [sflag:$0x3] =	stream.indirect_vreg.gather [hbm4b:s6+s3], $0x80, v4, vm0, $0xb8;
	[tilespmem:$0x18200] =	vst v63  }
0x50: {  	s31 =	simm.s32 $0x4A00  }
0x51: {  	[tilespmem:s31], [sflag:$0x3] =	stream.indirect_vreg.gather [hbm4b:s2+s3], $0x80, v3, vm0, $0xb8;
	[tilespmem:$0x18200] =	vst v63  }
0x52: {  	s4 =	simm.s32 $0x5200  }
0x53: {  	[tilespmem:s4], [sflag:$0x3] =	stream.indirect_vreg.gather [hbm4b:s5+s3], $0x80, v3, vm0, $0xb8;
	[tilespmem:$0x18200] =	vst v63  }
0x54: {  	s7 =	simm.s32 $0x5A00  }
0x55: {  	[tilespmem:s7], [sflag:$0x3] =	stream.indirect_vreg.gather [hbm4b:s6+s3], $0x80, v3, vm0, $0xb8;
	[tilespmem:$0x18200] =	vst v63  }
0x56: {  	v3 =	vld [tilespmem:$0x20];
	_ =	sdelay $0x4  }
0x57: {  	v34 =	vshrl.u32 v3, $0x3  }
0x58: {  	v4 =	vmul.u32 $0x30, v34  }
0x59: {  	v3 =	vand.u32 $0x7, v3  }
0x5a: {  	v3 =	vor.u32 v3, v4  }
0x5b: {  	v4 =	vperm.xlane v3, v0;
	_ =	sdelay $0x1  }
0x5c: {  	v4 =	vadd.s32 v1, v4;
	_ =	sdelay $0x3  }
0x5d: {  	s8 =	simm.s32 $0x6200;
	v3 =	vperm.xlane v3, v2  }
0x5e: {  	[tilespmem:s8], [sflag:$0x4] =	stream.indirect_vreg.gather [hbm4b:s2+s3], $0x80, v4, vm0, $0xb8;
	[tilespmem:$0x18200] =	vst v63  }
0x5f: {  	s9 =	simm.s32 $0x6A00;
	v3 =	vadd.s32 v1, v3  }
0x60: {  	[tilespmem:s9], [sflag:$0x4] =	stream.indirect_vreg.gather [hbm4b:s5+s3], $0x80, v4, vm0, $0xb8;
	[tilespmem:$0x18200] =	vst v63  }
0x61: {  	s12 =	simm.s32 $0x7200  }
0x62: {  	[tilespmem:s12], [sflag:$0x4] =	stream.indirect_vreg.gather [hbm4b:s6+s3], $0x80, v4, vm0, $0xb8;
	[tilespmem:$0x18200] =	vst v63  }
0x63: {  	s13 =	simm.s32 $0x7A00  }
0x64: {  	[tilespmem:s13], [sflag:$0x4] =	stream.indirect_vreg.gather [hbm4b:s2+s3], $0x80, v3, vm0, $0xb8;
	[tilespmem:$0x18200] =	vst v63  }
0x65: {  	s14 =	simm.s32 $0x8200  }
0x66: {  	[tilespmem:s14], [sflag:$0x4] =	stream.indirect_vreg.gather [hbm4b:s5+s3], $0x80, v3, vm0, $0xb8;
	[tilespmem:$0x18200] =	vst v63  }
0x67: {  	s15 =	simm.s32 $0x8A00  }
0x68: {  	[tilespmem:s15], [sflag:$0x4] =	stream.indirect_vreg.gather [hbm4b:s6+s3], $0x80, v3, vm0, $0xb8;
	[tilespmem:$0x18200] =	vst v63  }
0x69: {  	v3 =	vld [tilespmem:$0x30];
	_ =	sdelay $0x4  }
0x6a: {  	v35 =	vshrl.u32 v3, $0x3  }
0x6b: {  	v4 =	vmul.u32 $0x30, v35  }
0x6c: {  	v3 =	vand.u32 $0x7, v3  }
0x6d: {  	v3 =	vor.u32 v3, v4  }
0x6e: {  	v4 =	vperm.xlane v3, v0;
	_ =	sdelay $0x1  }
0x6f: {  	v4 =	vadd.s32 v1, v4;
	_ =	sdelay $0x3  }
0x70: {  	s8 =	simm.s32 $0x9200;
	v3 =	vperm.xlane v3, v2  }
0x71: {  	[tilespmem:s8], [sflag:$0x5] =	stream.indirect_vreg.gather [hbm4b:s2+s3], $0x80, v4, vm0, $0xb8;
	[tilespmem:$0x18200] =	vst v63  }
0x72: {  	s9 =	simm.s32 $0x9A00;
	v3 =	vadd.s32 v1, v3  }
0x73: {  	[tilespmem:s9], [sflag:$0x5] =	stream.indirect_vreg.gather [hbm4b:s5+s3], $0x80, v4, vm0, $0xb8;
	[tilespmem:$0x18200] =	vst v63  }
0x74: {  	s0 =	simm.s32 $0xA200  }
0x75: {  	[tilespmem:s0], [sflag:$0x5] =	stream.indirect_vreg.gather [hbm4b:s6+s3], $0x80, v4, vm0, $0xb8;
	[tilespmem:$0x18200] =	vst v63  }
0x76: {  	s4 =	simm.s32 $0xAA00  }
0x77: {  	[tilespmem:s4], [sflag:$0x5] =	stream.indirect_vreg.gather [hbm4b:s2+s3], $0x80, v3, vm0, $0xb8;
	[tilespmem:$0x18200] =	vst v63  }
0x78: {  	s7 =	simm.s32 $0xB200  }
0x79: {  	[tilespmem:s7], [sflag:$0x5] =	stream.indirect_vreg.gather [hbm4b:s5+s3], $0x80, v3, vm0, $0xb8;
	[tilespmem:$0x18200] =	vst v63  }
0x7a: {  	s12 =	simm.s32 $0xBA00  }
0x7b: {  	[tilespmem:s12], [sflag:$0x5] =	stream.indirect_vreg.gather [hbm4b:s6+s3], $0x80, v3, vm0, $0xb8;
	[tilespmem:$0x18200] =	vst v63  }
0x7c: {  	_ =	swait.ge [sflag:s16], $0x3000  }
0x7d: {  	s13 =	sld [smem:$0x7F9]  }
0x7e: {  	[sflag:s16] =	ssyncset.done $0x0  }
0x7f: {  	s18 =	simm.s32 $0x200;
	[sflag:s16] =	ssyncadd.s32 $0xFFFFD000  }
0x80: {  	[hbm4b:s13+s3] =	stream.linear.scatter [tilespmem:s18], [sflag:$0xA], $0x3000, $0x38;
	[tilespmem:$0x18200] =	vst v63  }
0x81: {  	v3 =	vld [tilespmem:$0x40];
	_ =	sdelay $0x4  }
0x82: {  	v36 =	vshrl.u32 v3, $0x3  }
0x83: {  	v4 =	vmul.u32 $0x30, v36  }
0x84: {  	v3 =	vand.u32 $0x7, v3  }
0x85: {  	v3 =	vor.u32 v3, v4  }
0x86: {  	v4 =	vperm.xlane v3, v0;
	_ =	sdelay $0x1  }
0x87: {  	v4 =	vadd.s32 v1, v4;
	_ =	sdelay $0x3  }
0x88: {  	s14 =	simm.s32 $0xC200;
	v3 =	vperm.xlane v3, v2  }
0x89: {  	[tilespmem:s14], [sflag:$0x6] =	stream.indirect_vreg.gather [hbm4b:s2+s3], $0x80, v4, vm0, $0xb8;
	[tilespmem:$0x18200] =	vst v63  }
0x8a: {  	s15 =	simm.s32 $0xCA00;
	v3 =	vadd.s32 v1, v3  }
0x8b: {  	[tilespmem:s15], [sflag:$0x6] =	stream.indirect_vreg.gather [hbm4b:s5+s3], $0x80, v4, vm0, $0xb8;
	[tilespmem:$0x18200] =	vst v63  }
0x8c: {  	s18 =	simm.s32 $0xD200  }
0x8d: {  	[tilespmem:s18], [sflag:$0x6] =	stream.indirect_vreg.gather [hbm4b:s6+s3], $0x80, v4, vm0, $0xb8;
	[tilespmem:$0x18200] =	vst v63  }
0x8e: {  	s0 =	simm.s32 $0xDA00  }
0x8f: {  	[tilespmem:s0], [sflag:$0x6] =	stream.indirect_vreg.gather [hbm4b:s2+s3], $0x80, v3, vm0, $0xb8;
	[tilespmem:$0x18200] =	vst v63  }
0x90: {  	s4 =	simm.s32 $0xE200  }
0x91: {  	[tilespmem:s4], [sflag:$0x6] =	stream.indirect_vreg.gather [hbm4b:s5+s3], $0x80, v3, vm0, $0xb8;
	[tilespmem:$0x18200] =	vst v63  }
0x92: {  	s7 =	simm.s32 $0xEA00  }
0x93: {  	[tilespmem:s7], [sflag:$0x6] =	stream.indirect_vreg.gather [hbm4b:s6+s3], $0x80, v3, vm0, $0xb8;
	[tilespmem:$0x18200] =	vst v63  }
0x94: {  	_ =	swait.ge [sflag:s24], $0x3000  }
0x95: {  	[sflag:s24] =	ssyncset.done $0x0  }
0x96: {  	s17 =	simm.s32 $0x3200;
	s13 =	rddreg [dreg:$0x5];
	[sflag:s24] =	ssyncadd.s32 $0xFFFFD000  }
0x97: {  	[hbm4b:s13+s3] =	stream.linear.scatter [tilespmem:s17], [sflag:$0xB], $0x3000, $0x38;
	[tilespmem:$0x18200] =	vst v63  }
0x98: {  	v3 =	vld [tilespmem:$0x50];
	_ =	sdelay $0x4  }
0x99: {  	v37 =	vshrl.u32 v3, $0x3  }
0x9a: {  	v4 =	vmul.u32 $0x30, v37  }
0x9b: {  	v3 =	vand.u32 $0x7, v3  }
0x9c: {  	v3 =	vor.u32 v3, v4  }
0x9d: {  	v4 =	vperm.xlane v3, v0;
	_ =	sdelay $0x1  }
0x9e: {  	v4 =	vadd.s32 v1, v4;
	_ =	sdelay $0x3  }
0x9f: {  	s15 =	simm.s32 $0xF200;
	v3 =	vperm.xlane v3, v2  }
0xa0: {  	[tilespmem:s15], [sflag:$0x7] =	stream.indirect_vreg.gather [hbm4b:s2+s3], $0x80, v4, vm0, $0xb8;
	[tilespmem:$0x18200] =	vst v63  }
0xa1: {  	s17 =	simm.s32 $0xFA00;
	v3 =	vadd.s32 v1, v3  }
0xa2: {  	[tilespmem:s17], [sflag:$0x7] =	stream.indirect_vreg.gather [hbm4b:s5+s3], $0x80, v4, vm0, $0xb8;
	[tilespmem:$0x18200] =	vst v63  }
0xa3: {  	s0 =	simm.s32 $0x10200  }
0xa4: {  	[tilespmem:s0], [sflag:$0x7] =	stream.indirect_vreg.gather [hbm4b:s6+s3], $0x80, v4, vm0, $0xb8;
	[tilespmem:$0x18200] =	vst v63  }
0xa5: {  	s4 =	simm.s32 $0x10A00  }
0xa6: {  	[tilespmem:s4], [sflag:$0x7] =	stream.indirect_vreg.gather [hbm4b:s2+s3], $0x80, v3, vm0, $0xb8;
	[tilespmem:$0x18200] =	vst v63  }
0xa7: {  	s7 =	simm.s32 $0x11200  }
0xa8: {  	[tilespmem:s7], [sflag:$0x7] =	stream.indirect_vreg.gather [hbm4b:s5+s3], $0x80, v3, vm0, $0xb8;
	[tilespmem:$0x18200] =	vst v63  }
0xa9: {  	s15 =	simm.s32 $0x11A00;
	s0 =	simm.s32 $0x4  }
0xaa: {  	[tilespmem:s15], [sflag:$0x7] =	stream.indirect_vreg.gather [hbm4b:s6+s3], $0x80, v3, vm0, $0xb8;
	[tilespmem:$0x18200] =	vst v63  }
0xab: {  	_ =	swait.ge [sflag:s0], $0x3000  }
0xac: {  	[sflag:s0] =	ssyncset.done $0x0  }
0xad: {  	s10 =	simm.s32 $0x6200;
	s17 =	rddreg [dreg:$0x6];
	[sflag:s0] =	ssyncadd.s32 $0xFFFFD000  }
0xae: {  	[hbm4b:s17+s3] =	stream.linear.scatter [tilespmem:s10], [sflag:$0xC], $0x3000, $0x38;
	[tilespmem:$0x18200] =	vst v63  }
0xaf: {  	v3 =	vld [tilespmem:$0x60];
	_ =	sdelay $0x4  }
0xb0: {  	v38 =	vshrl.u32 v3, $0x3  }
0xb1: {  	v4 =	vmul.u32 $0x30, v38  }
0xb2: {  	v3 =	vand.u32 $0x7, v3  }
0xb3: {  	v3 =	vor.u32 v3, v4  }
0xb4: {  	v4 =	vperm.xlane v3, v0;
	_ =	sdelay $0x1  }
0xb5: {  	v4 =	vadd.s32 v1, v4;
	_ =	sdelay $0x3  }
0xb6: {  	s10 =	simm.s32 $0x12200;
	v3 =	vperm.xlane v3, v2  }
0xb7: {  	[tilespmem:s10], [sflag:$0x8] =	stream.indirect_vreg.gather [hbm4b:s2+s3], $0x80, v4, vm0, $0xb8;
	[tilespmem:$0x18200] =	vst v63  }
0xb8: {  	s4 =	simm.s32 $0x12A00;
	v3 =	vadd.s32 v1, v3  }
0xb9: {  	[tilespmem:s4], [sflag:$0x8] =	stream.indirect_vreg.gather [hbm4b:s5+s3], $0x80, v4, vm0, $0xb8;
	[tilespmem:$0x18200] =	vst v63  }
0xba: {  	s15 =	simm.s32 $0x13200  }
0xbb: {  	[tilespmem:s15], [sflag:$0x8] =	stream.indirect_vreg.gather [hbm4b:s6+s3], $0x80, v4, vm0, $0xb8;
	[tilespmem:$0x18200] =	vst v63  }
0xbc: {  	s17 =	simm.s32 $0x13A00  }
0xbd: {  	[tilespmem:s17], [sflag:$0x8] =	stream.indirect_vreg.gather [hbm4b:s2+s3], $0x80, v3, vm0, $0xb8;
	[tilespmem:$0x18200] =	vst v63  }
0xbe: {  	s4 =	simm.s32 $0x14200  }
0xbf: {  	[tilespmem:s4], [sflag:$0x8] =	stream.indirect_vreg.gather [hbm4b:s5+s3], $0x80, v3, vm0, $0xb8;
	[tilespmem:$0x18200] =	vst v63  }
0xc0: {  	s15 =	simm.s32 $0x14A00  }
0xc1: {  	[tilespmem:s15], [sflag:$0x8] =	stream.indirect_vreg.gather [hbm4b:s6+s3], $0x80, v3, vm0, $0xb8;
	[tilespmem:$0x18200] =	vst v63  }
0xc2: {  	_ =	swait.ge [sflag:s19], $0x3000  }
0xc3: {  	[sflag:s19] =	ssyncset.done $0x0  }
0xc4: {  	s8 =	simm.s32 $0x9200;
	s17 =	rddreg [dreg:$0x7];
	[sflag:s19] =	ssyncadd.s32 $0xFFFFD000  }
0xc5: {  	[hbm4b:s17+s3] =	stream.linear.scatter [tilespmem:s8], [sflag:$0xD], $0x3000, $0x38;
	[tilespmem:$0x18200] =	vst v63  }
0xc6: {  	v3 =	vld [tilespmem:$0x70];
	_ =	sdelay $0x4  }
0xc7: {  	v39 =	vshrl.u32 v3, $0x3  }
0xc8: {  	v4 =	vmul.u32 $0x30, v39  }
0xc9: {  	v3 =	vand.u32 $0x7, v3  }
0xca: {  	v3 =	vor.u32 v3, v4  }
0xcb: {  	v4 =	vperm.xlane v3, v0;
	_ =	sdelay $0x1  }
0xcc: {  	v4 =	vadd.s32 v1, v4;
	_ =	sdelay $0x3  }
0xcd: {  	s8 =	simm.s32 $0x15200;
	v3 =	vperm.xlane v3, v2  }
0xce: {  	[tilespmem:s8], [sflag:$0x9] =	stream.indirect_vreg.gather [hbm4b:s2+s3], $0x80, v4, vm0, $0xb8;
	[tilespmem:$0x18200] =	vst v63  }
0xcf: {  	s4 =	simm.s32 $0x15A00;
	v3 =	vadd.s32 v1, v3  }
0xd0: {  	[tilespmem:s4], [sflag:$0x9] =	stream.indirect_vreg.gather [hbm4b:s5+s3], $0x80, v4, vm0, $0xb8;
	[tilespmem:$0x18200] =	vst v63  }
0xd1: {  	s15 =	simm.s32 $0x16200  }
0xd2: {  	[tilespmem:s15], [sflag:$0x9] =	stream.indirect_vreg.gather [hbm4b:s6+s3], $0x80, v4, vm0, $0xb8;
	[tilespmem:$0x18200] =	vst v63  }
0xd3: {  	s4 =	simm.s32 $0x16A00  }
0xd4: {  	[tilespmem:s4], [sflag:$0x9] =	stream.indirect_vreg.gather [hbm4b:s2+s3], $0x80, v3, vm0, $0xb8;
	[tilespmem:$0x18200] =	vst v63  }
0xd5: {  	s15 =	simm.s32 $0x17200  }
0xd6: {  	[tilespmem:s15], [sflag:$0x9] =	stream.indirect_vreg.gather [hbm4b:s5+s3], $0x80, v3, vm0, $0xb8;
	[tilespmem:$0x18200] =	vst v63  }
0xd7: {  	s4 =	simm.s32 $0x17A00  }
0xd8: {  	[tilespmem:s4], [sflag:$0x9] =	stream.indirect_vreg.gather [hbm4b:s6+s3], $0x80, v3, vm0, $0xb8;
	[tilespmem:$0x18200] =	vst v63  }
0xd9: {  	_ =	swait.ge [sflag:s20], $0x3000  }
0xda: {  	[sflag:s20] =	ssyncset.done $0x0  }
0xdb: {  	s9 =	simm.s32 $0xC200;
	s15 =	rddreg [dreg:$0x8];
	[sflag:s20] =	ssyncadd.s32 $0xFFFFD000  }
0xdc: {  	[hbm4b:s15+s3] =	stream.linear.scatter [tilespmem:s9], [sflag:$0xE], $0x3000, $0x38;
	[tilespmem:$0x18200] =	vst v63  }
0xdd: {  	_ =	swait.ge [sflag:s22], $0x3000  }
0xde: {  	[sflag:s22] =	ssyncset.done $0x0  }
0xdf: {  	[sflag:s22] =	ssyncadd.s32 $0xFFFFD000  }
0xe0: {  	v3 =	vld [tilespmem:$0x80];
	_ =	sdelay $0x4  }
0xe1: {  	v40 =	vshrl.u32 v3, $0x3  }
0xe2: {  	v4 =	vmul.u32 $0x30, v40  }
0xe3: {  	v3 =	vand.u32 $0x7, v3  }
0xe4: {  	v3 =	vor.u32 v3, v4  }
0xe5: {  	v4 =	vperm.xlane v3, v0;
	_ =	sdelay $0x1  }
0xe6: {  	v4 =	vadd.s32 v1, v4;
	_ =	sdelay $0x3  }
0xe7: {  	s15 =	simm.s32 $0x200;
	v3 =	vperm.xlane v3, v2  }
0xe8: {  	[tilespmem:s15], [sflag:$0x2] =	stream.indirect_vreg.gather [hbm4b:s2+s3], $0x80, v4, vm0, $0xb8;
	[tilespmem:$0x18200] =	vst v63  }
0xe9: {  	s21 =	simm.s32 $0xA00;
	v3 =	vadd.s32 v1, v3  }
0xea: {  	[tilespmem:s21], [sflag:$0x2] =	stream.indirect_vreg.gather [hbm4b:s5+s3], $0x80, v4, vm0, $0xb8;
	[tilespmem:$0x18200] =	vst v63  }
0xeb: {  	s23 =	simm.s32 $0x1200  }
0xec: {  	[tilespmem:s23], [sflag:$0x2] =	stream.indirect_vreg.gather [hbm4b:s6+s3], $0x80, v4, vm0, $0xb8;
	[tilespmem:$0x18200] =	vst v63  }
0xed: {  	s11 =	simm.s32 $0x1A00  }
0xee: {  	[tilespmem:s11], [sflag:$0x2] =	stream.indirect_vreg.gather [hbm4b:s2+s3], $0x80, v3, vm0, $0xb8;
	[tilespmem:$0x18200] =	vst v63  }
0xef: {  	s26 =	simm.s32 $0x2200  }
0xf0: {  	[tilespmem:s26], [sflag:$0x2] =	stream.indirect_vreg.gather [hbm4b:s5+s3], $0x80, v3, vm0, $0xb8;
	[tilespmem:$0x18200] =	vst v63  }
0xf1: {  	s1 =	simm.s32 $0x2A00;
	s23 =	simm.s32 $0x7  }
0xf2: {  	[tilespmem:s1], [sflag:$0x2] =	stream.indirect_vreg.gather [hbm4b:s6+s3], $0x80, v3, vm0, $0xb8;
	[tilespmem:$0x18200] =	vst v63  }
0xf3: {  	_ =	swait.ge [sflag:s23], $0x3000  }
0xf4: {  	[sflag:s23] =	ssyncset.done $0x0  }
0xf5: {  	s18 =	simm.s32 $0xF200;
	s26 =	rddreg [dreg:$0x9];
	[sflag:s23] =	ssyncadd.s32 $0xFFFFD000  }
0xf6: {  	[hbm4b:s26+s3] =	stream.linear.scatter [tilespmem:s18], [sflag:$0xF], $0x3000, $0x38;
	[tilespmem:$0x18200] =	vst v63  }
0xf7: {  	s26 =	simm.s32 $0xB  }
0xf8: {  	_ =	swait.ge [sflag:s26], $0x3000  }
0xf9: {  	[sflag:s26] =	ssyncset.done $0x0  }
0xfa: {  	[sflag:s26] =	ssyncadd.s32 $0xFFFFD000  }
0xfb: {  	v3 =	vld [tilespmem:$0x90];
	_ =	sdelay $0x4  }
0xfc: {  	v41 =	vshrl.u32 v3, $0x3  }
0xfd: {  	v4 =	vmul.u32 $0x30, v41  }
0xfe: {  	v3 =	vand.u32 $0x7, v3  }
0xff: {  	v3 =	vor.u32 v3, v4  }
0x100: {  	v4 =	vperm.xlane v3, v0;
	_ =	sdelay $0x1  }
0x101: {  	v4 =	vadd.s32 v1, v4;
	_ =	sdelay $0x3  }
0x102: {  	s21 =	simm.s32 $0x3200;
	v3 =	vperm.xlane v3, v2  }
0x103: {  	[tilespmem:s21], [sflag:$0x3] =	stream.indirect_vreg.gather [hbm4b:s2+s3], $0x80, v4, vm0, $0xb8;
	[tilespmem:$0x18200] =	vst v63  }
0x104: {  	s29 =	simm.s32 $0x3A00;
	v3 =	vadd.s32 v1, v3  }
0x105: {  	[tilespmem:s29], [sflag:$0x3] =	stream.indirect_vreg.gather [hbm4b:s5+s3], $0x80, v4, vm0, $0xb8;
	[tilespmem:$0x18200] =	vst v63  }
0x106: {  	s30 =	simm.s32 $0x4200  }
0x107: {  	[tilespmem:s30], [sflag:$0x3] =	stream.indirect_vreg.gather [hbm4b:s6+s3], $0x80, v4, vm0, $0xb8;
	[tilespmem:$0x18200] =	vst v63  }
0x108: {  	s9 =	simm.s32 $0x4A00  }
0x109: {  	[tilespmem:s9], [sflag:$0x3] =	stream.indirect_vreg.gather [hbm4b:s2+s3], $0x80, v3, vm0, $0xb8;
	[tilespmem:$0x18200] =	vst v63  }
0x10a: {  	s30 =	simm.s32 $0x5200  }
0x10b: {  	[tilespmem:s30], [sflag:$0x3] =	stream.indirect_vreg.gather [hbm4b:s5+s3], $0x80, v3, vm0, $0xb8;
	[tilespmem:$0x18200] =	vst v63  }
0x10c: {  	s1 =	simm.s32 $0x5A00;
	s29 =	simm.s32 $0x8  }
0x10d: {  	[tilespmem:s1], [sflag:$0x3] =	stream.indirect_vreg.gather [hbm4b:s6+s3], $0x80, v3, vm0, $0xb8;
	[tilespmem:$0x18200] =	vst v63  }
0x10e: {  	_ =	swait.ge [sflag:s29], $0x3000  }
0x10f: {  	[sflag:s29] =	ssyncset.done $0x0  }
0x110: {  	s30 =	simm.s32 $0xC;
	s18 =	rddreg [dreg:$0xa];
	[sflag:s29] =	ssyncadd.s32 $0xFFFFD000  }
0x111: {  	[hbm4b:s18+s3] =	stream.linear.scatter [tilespmem:s10], [sflag:$0x10], $0x3000, $0x38;
	[tilespmem:$0x18200] =	vst v63  }
0x112: {  	_ =	swait.ge [sflag:s30], $0x3000  }
0x113: {  	[sflag:s30] =	ssyncset.done $0x0  }
0x114: {  	[sflag:s30] =	ssyncadd.s32 $0xFFFFD000  }
0x115: {  	v3 =	vld [tilespmem:$0xA0];
	_ =	sdelay $0x4  }
0x116: {  	v42 =	vshrl.u32 v3, $0x3  }
0x117: {  	v4 =	vmul.u32 $0x30, v42  }
0x118: {  	v3 =	vand.u32 $0x7, v3  }
0x119: {  	v3 =	vor.u32 v3, v4  }
0x11a: {  	v4 =	vperm.xlane v3, v0;
	_ =	sdelay $0x1  }
0x11b: {  	v4 =	vadd.s32 v1, v4;
	_ =	sdelay $0x3  }
0x11c: {  	s7 =	simm.s32 $0x6200;
	v3 =	vperm.xlane v3, v2  }
0x11d: {  	[tilespmem:s7], [sflag:$0x4] =	stream.indirect_vreg.gather [hbm4b:s2+s3], $0x80, v4, vm0, $0xb8;
	[tilespmem:$0x18200] =	vst v63  }
0x11e: {  	s25 =	simm.s32 $0x6A00;
	v3 =	vadd.s32 v1, v3  }
0x11f: {  	[tilespmem:s25], [sflag:$0x4] =	stream.indirect_vreg.gather [hbm4b:s5+s3], $0x80, v4, vm0, $0xb8;
	[tilespmem:$0x18200] =	vst v63  }
0x120: {  	s31 =	simm.s32 $0x7200  }
0x121: {  	[tilespmem:s31], [sflag:$0x4] =	stream.indirect_vreg.gather [hbm4b:s6+s3], $0x80, v4, vm0, $0xb8;
	[tilespmem:$0x18200] =	vst v63  }
0x122: {  	s28 =	simm.s32 $0x7A00  }
0x123: {  	[tilespmem:s28], [sflag:$0x4] =	stream.indirect_vreg.gather [hbm4b:s2+s3], $0x80, v3, vm0, $0xb8;
	[tilespmem:$0x18200] =	vst v63  }
0x124: {  	s28 =	simm.s32 $0x8200  }
0x125: {  	[tilespmem:s28], [sflag:$0x4] =	stream.indirect_vreg.gather [hbm4b:s5+s3], $0x80, v3, vm0, $0xb8;
	[tilespmem:$0x18200] =	vst v63  }
0x126: {  	s31 =	simm.s32 $0x8A00  }
0x127: {  	[tilespmem:s31], [sflag:$0x4] =	stream.indirect_vreg.gather [hbm4b:s6+s3], $0x80, v3, vm0, $0xb8;
	[tilespmem:$0x18200] =	vst v63  }
0x128: {  	s31 =	simm.s32 $0x9  }
0x129: {  	_ =	swait.ge [sflag:s31], $0x3000  }
0x12a: {  	[sflag:s31] =	ssyncset.done $0x0  }
0x12b: {  	s1 =	simm.s32 $0xD;
	s7 =	rddreg [dreg:$0xb];
	[sflag:s31] =	ssyncadd.s32 $0xFFFFD000  }
0x12c: {  	[hbm4b:s7+s3] =	stream.linear.scatter [tilespmem:s8], [sflag:$0x11], $0x3000, $0x38;
	[tilespmem:$0x18200] =	vst v63  }
0x12d: {  	_ =	swait.ge [sflag:s1], $0x3000  }
0x12e: {  	[sflag:s1] =	ssyncset.done $0x0  }
0x12f: {  	[sflag:s1] =	ssyncadd.s32 $0xFFFFD000  }
0x130: {  	v3 =	vld [tilespmem:$0xB0];
	_ =	sdelay $0x4  }
0x131: {  	v43 =	vshrl.u32 v3, $0x3  }
0x132: {  	v4 =	vmul.u32 $0x30, v43  }
0x133: {  	v3 =	vand.u32 $0x7, v3  }
0x134: {  	v3 =	vor.u32 v3, v4  }
0x135: {  	v4 =	vperm.xlane v3, v0;
	_ =	sdelay $0x1  }
0x136: {  	v4 =	vadd.s32 v1, v4;
	_ =	sdelay $0x3  }
0x137: {  	s17 =	simm.s32 $0x9200;
	v3 =	vperm.xlane v3, v2  }
0x138: {  	[tilespmem:s17], [sflag:$0x5] =	stream.indirect_vreg.gather [hbm4b:s2+s3], $0x80, v4, vm0, $0xb8;
	[tilespmem:$0x18200] =	vst v63  }
0x139: {  	s25 =	simm.s32 $0x9A00;
	v3 =	vadd.s32 v1, v3  }
0x13a: {  	[tilespmem:s25], [sflag:$0x5] =	stream.indirect_vreg.gather [hbm4b:s5+s3], $0x80, v4, vm0, $0xb8;
	[tilespmem:$0x18200] =	vst v63  }
0x13b: {  	s28 =	simm.s32 $0xA200  }
0x13c: {  	[tilespmem:s28], [sflag:$0x5] =	stream.indirect_vreg.gather [hbm4b:s6+s3], $0x80, v4, vm0, $0xb8;
	[tilespmem:$0x18200] =	vst v63  }
0x13d: {  	s7 =	simm.s32 $0xAA00  }
0x13e: {  	[tilespmem:s7], [sflag:$0x5] =	stream.indirect_vreg.gather [hbm4b:s2+s3], $0x80, v3, vm0, $0xb8;
	[tilespmem:$0x18200] =	vst v63  }
0x13f: {  	s28 =	simm.s32 $0xB200  }
0x140: {  	[tilespmem:s28], [sflag:$0x5] =	stream.indirect_vreg.gather [hbm4b:s5+s3], $0x80, v3, vm0, $0xb8;
	[tilespmem:$0x18200] =	vst v63  }
0x141: {  	s25 =	simm.s32 $0xBA00  }
0x142: {  	[tilespmem:s25], [sflag:$0x5] =	stream.indirect_vreg.gather [hbm4b:s6+s3], $0x80, v3, vm0, $0xb8;
	[tilespmem:$0x18200] =	vst v63  }
0x143: {  	_ =	swait.ge [sflag:s16], $0x3000  }
0x144: {  	[sflag:s16] =	ssyncset.done $0x0  }
0x145: {  	s7 =	rddreg [dreg:$0xc];
	[sflag:s16] =	ssyncadd.s32 $0xFFFFD000  }
0x146: {  	[hbm4b:s7+s3] =	stream.linear.scatter [tilespmem:s15], [sflag:$0xA], $0x3000, $0x38;
	[tilespmem:$0x18200] =	vst v63  }
0x147: {  	s15 =	simm.s32 $0xE  }
0x148: {  	_ =	swait.ge [sflag:s15], $0x3000  }
0x149: {  	[sflag:s15] =	ssyncset.done $0x0  }
0x14a: {  	[sflag:s15] =	ssyncadd.s32 $0xFFFFD000  }
0x14b: {  	v3 =	vld [tilespmem:$0xC0];
	_ =	sdelay $0x4  }
0x14c: {  	v44 =	vshrl.u32 v3, $0x3  }
0x14d: {  	v4 =	vmul.u32 $0x30, v44  }
0x14e: {  	v3 =	vand.u32 $0x7, v3  }
0x14f: {  	v3 =	vor.u32 v3, v4  }
0x150: {  	v4 =	vperm.xlane v3, v0;
	_ =	sdelay $0x1  }
0x151: {  	v4 =	vadd.s32 v1, v4;
	_ =	sdelay $0x3  }
0x152: {  	s4 =	simm.s32 $0xC200;
	v3 =	vperm.xlane v3, v2  }
0x153: {  	[tilespmem:s4], [sflag:$0x6] =	stream.indirect_vreg.gather [hbm4b:s2+s3], $0x80, v4, vm0, $0xb8;
	[tilespmem:$0x18200] =	vst v63  }
0x154: {  	s12 =	simm.s32 $0xCA00;
	v3 =	vadd.s32 v1, v3  }
0x155: {  	[tilespmem:s12], [sflag:$0x6] =	stream.indirect_vreg.gather [hbm4b:s5+s3], $0x80, v4, vm0, $0xb8;
	[tilespmem:$0x18200] =	vst v63  }
0x156: {  	s12 =	simm.s32 $0xD200  }
0x157: {  	[tilespmem:s12], [sflag:$0x6] =	stream.indirect_vreg.gather [hbm4b:s6+s3], $0x80, v4, vm0, $0xb8;
	[tilespmem:$0x18200] =	vst v63  }
0x158: {  	s14 =	simm.s32 $0xDA00  }
0x159: {  	[tilespmem:s14], [sflag:$0x6] =	stream.indirect_vreg.gather [hbm4b:s2+s3], $0x80, v3, vm0, $0xb8;
	[tilespmem:$0x18200] =	vst v63  }
0x15a: {  	s12 =	simm.s32 $0xE200  }
0x15b: {  	[tilespmem:s12], [sflag:$0x6] =	stream.indirect_vreg.gather [hbm4b:s5+s3], $0x80, v3, vm0, $0xb8;
	[tilespmem:$0x18200] =	vst v63  }
0x15c: {  	s14 =	simm.s32 $0xEA00  }
0x15d: {  	[tilespmem:s14], [sflag:$0x6] =	stream.indirect_vreg.gather [hbm4b:s6+s3], $0x80, v3, vm0, $0xb8;
	[tilespmem:$0x18200] =	vst v63  }
0x15e: {  	_ =	swait.ge [sflag:s24], $0x3000  }
0x15f: {  	[sflag:s24] =	ssyncset.done $0x0  }
0x160: {  	s12 =	rddreg [dreg:$0xd];
	[sflag:s24] =	ssyncadd.s32 $0xFFFFD000  }
0x161: {  	[hbm4b:s12+s3] =	stream.linear.scatter [tilespmem:s21], [sflag:$0xB], $0x3000, $0x38;
	[tilespmem:$0x18200] =	vst v63  }
0x162: {  	s12 =	simm.s32 $0xF  }
0x163: {  	_ =	swait.ge [sflag:s12], $0x3000  }
0x164: {  	[sflag:s12] =	ssyncset.done $0x0  }
0x165: {  	[sflag:s12] =	ssyncadd.s32 $0xFFFFD000  }
0x166: {  	v3 =	vld [tilespmem:$0xD0];
	_ =	sdelay $0x4  }
0x167: {  	v45 =	vshrl.u32 v3, $0x3  }
0x168: {  	v4 =	vmul.u32 $0x30, v45  }
0x169: {  	v3 =	vand.u32 $0x7, v3  }
0x16a: {  	v3 =	vor.u32 v3, v4  }
0x16b: {  	v4 =	vperm.xlane v3, v0;
	_ =	sdelay $0x1  }
0x16c: {  	v4 =	vadd.s32 v1, v4;
	_ =	sdelay $0x3  }
0x16d: {  	s11 =	simm.s32 $0xF200;
	v3 =	vperm.xlane v3, v2  }
0x16e: {  	[tilespmem:s11], [sflag:$0x7] =	stream.indirect_vreg.gather [hbm4b:s2+s3], $0x80, v4, vm0, $0xb8;
	[tilespmem:$0x18200] =	vst v63  }
0x16f: {  	s13 =	simm.s32 $0xFA00;
	v3 =	vadd.s32 v1, v3  }
0x170: {  	[tilespmem:s13], [sflag:$0x7] =	stream.indirect_vreg.gather [hbm4b:s5+s3], $0x80, v4, vm0, $0xb8;
	[tilespmem:$0x18200] =	vst v63  }
0x171: {  	s13 =	simm.s32 $0x10200  }
0x172: {  	[tilespmem:s13], [sflag:$0x7] =	stream.indirect_vreg.gather [hbm4b:s6+s3], $0x80, v4, vm0, $0xb8;
	[tilespmem:$0x18200] =	vst v63  }
0x173: {  	s14 =	simm.s32 $0x10A00  }
0x174: {  	[tilespmem:s14], [sflag:$0x7] =	stream.indirect_vreg.gather [hbm4b:s2+s3], $0x80, v3, vm0, $0xb8;
	[tilespmem:$0x18200] =	vst v63  }
0x175: {  	s13 =	simm.s32 $0x11200  }
0x176: {  	[tilespmem:s13], [sflag:$0x7] =	stream.indirect_vreg.gather [hbm4b:s5+s3], $0x80, v3, vm0, $0xb8;
	[tilespmem:$0x18200] =	vst v63  }
0x177: {  	s14 =	simm.s32 $0x11A00  }
0x178: {  	[tilespmem:s14], [sflag:$0x7] =	stream.indirect_vreg.gather [hbm4b:s6+s3], $0x80, v3, vm0, $0xb8;
	[tilespmem:$0x18200] =	vst v63  }
0x179: {  	_ =	swait.ge [sflag:s0], $0x3000  }
0x17a: {  	[sflag:s0] =	ssyncset.done $0x0  }
0x17b: {  	s18 =	simm.s32 $0x6200;
	s13 =	rddreg [dreg:$0xe];
	[sflag:s0] =	ssyncadd.s32 $0xFFFFD000  }
0x17c: {  	[hbm4b:s13+s3] =	stream.linear.scatter [tilespmem:s18], [sflag:$0xC], $0x3000, $0x38;
	[tilespmem:$0x18200] =	vst v63  }
0x17d: {  	s13 =	simm.s32 $0x10  }
0x17e: {  	_ =	swait.ge [sflag:s13], $0x3000  }
0x17f: {  	[sflag:s13] =	ssyncset.done $0x0  }
0x180: {  	[sflag:s13] =	ssyncadd.s32 $0xFFFFD000  }
0x181: {  	v3 =	vld [tilespmem:$0xE0];
	_ =	sdelay $0x4  }
0x182: {  	v46 =	vshrl.u32 v3, $0x3  }
0x183: {  	v4 =	vmul.u32 $0x30, v46  }
0x184: {  	v3 =	vand.u32 $0x7, v3  }
0x185: {  	v3 =	vor.u32 v3, v4  }
0x186: {  	v4 =	vperm.xlane v3, v0;
	_ =	sdelay $0x1  }
0x187: {  	v4 =	vadd.s32 v1, v4;
	_ =	sdelay $0x3  }
0x188: {  	v3 =	vperm.xlane v3, v2  }
0x189: {  	[tilespmem:s10], [sflag:$0x8] =	stream.indirect_vreg.gather [hbm4b:s2+s3], $0x80, v4, vm0, $0xb8;
	[tilespmem:$0x18200] =	vst v63  }
0x18a: {  	s14 =	simm.s32 $0x12A00;
	v3 =	vadd.s32 v1, v3  }
0x18b: {  	[tilespmem:s14], [sflag:$0x8] =	stream.indirect_vreg.gather [hbm4b:s5+s3], $0x80, v4, vm0, $0xb8;
	[tilespmem:$0x18200] =	vst v63  }
0x18c: {  	s14 =	simm.s32 $0x13200  }
0x18d: {  	[tilespmem:s14], [sflag:$0x8] =	stream.indirect_vreg.gather [hbm4b:s6+s3], $0x80, v4, vm0, $0xb8;
	[tilespmem:$0x18200] =	vst v63  }
0x18e: {  	s14 =	simm.s32 $0x13A00  }
0x18f: {  	[tilespmem:s14], [sflag:$0x8] =	stream.indirect_vreg.gather [hbm4b:s2+s3], $0x80, v3, vm0, $0xb8;
	[tilespmem:$0x18200] =	vst v63  }
0x190: {  	s14 =	simm.s32 $0x14200  }
0x191: {  	[tilespmem:s14], [sflag:$0x8] =	stream.indirect_vreg.gather [hbm4b:s5+s3], $0x80, v3, vm0, $0xb8;
	[tilespmem:$0x18200] =	vst v63  }
0x192: {  	s14 =	simm.s32 $0x14A00  }
0x193: {  	[tilespmem:s14], [sflag:$0x8] =	stream.indirect_vreg.gather [hbm4b:s6+s3], $0x80, v3, vm0, $0xb8;
	[tilespmem:$0x18200] =	vst v63  }
0x194: {  	_ =	swait.ge [sflag:s19], $0x3000  }
0x195: {  	[sflag:s19] =	ssyncset.done $0x0  }
0x196: {  	s17 =	simm.s32 $0x9200;
	s7 =	rddreg [dreg:$0xf];
	[sflag:s19] =	ssyncadd.s32 $0xFFFFD000  }
0x197: {  	[hbm4b:s7+s3] =	stream.linear.scatter [tilespmem:s17], [sflag:$0xD], $0x3000, $0x38;
	[tilespmem:$0x18200] =	vst v63  }
0x198: {  	s7 =	simm.s32 $0x11  }
0x199: {  	_ =	swait.ge [sflag:s7], $0x3000  }
0x19a: {  	[sflag:s7] =	ssyncset.done $0x0  }
0x19b: {  	[sflag:s7] =	ssyncadd.s32 $0xFFFFD000  }
0x19c: {  	v3 =	vld [tilespmem:$0xF0];
	_ =	sdelay $0x4  }
0x19d: {  	v47 =	vshrl.u32 v3, $0x3  }
0x19e: {  	v4 =	vmul.u32 $0x30, v47  }
0x19f: {  	v3 =	vand.u32 $0x7, v3  }
0x1a0: {  	v3 =	vor.u32 v3, v4  }
0x1a1: {  	v4 =	vperm.xlane v3, v0;
	_ =	sdelay $0x1  }
0x1a2: {  	v4 =	vadd.s32 v1, v4;
	_ =	sdelay $0x3  }
0x1a3: {  	v3 =	vperm.xlane v3, v2  }
0x1a4: {  	[tilespmem:s8], [sflag:$0x9] =	stream.indirect_vreg.gather [hbm4b:s2+s3], $0x80, v4, vm0, $0xb8;
	[tilespmem:$0x18200] =	vst v63  }
0x1a5: {  	s14 =	simm.s32 $0x15A00;
	v3 =	vadd.s32 v1, v3  }
0x1a6: {  	[tilespmem:s14], [sflag:$0x9] =	stream.indirect_vreg.gather [hbm4b:s5+s3], $0x80, v4, vm0, $0xb8;
	[tilespmem:$0x18200] =	vst v63  }
0x1a7: {  	s14 =	simm.s32 $0x16200  }
0x1a8: {  	[tilespmem:s14], [sflag:$0x9] =	stream.indirect_vreg.gather [hbm4b:s6+s3], $0x80, v4, vm0, $0xb8;
	[tilespmem:$0x18200] =	vst v63  }
0x1a9: {  	s14 =	simm.s32 $0x16A00  }
0x1aa: {  	[tilespmem:s14], [sflag:$0x9] =	stream.indirect_vreg.gather [hbm4b:s2+s3], $0x80, v3, vm0, $0xb8;
	[tilespmem:$0x18200] =	vst v63  }
0x1ab: {  	s14 =	simm.s32 $0x17200  }
0x1ac: {  	[tilespmem:s14], [sflag:$0x9] =	stream.indirect_vreg.gather [hbm4b:s5+s3], $0x80, v3, vm0, $0xb8;
	[tilespmem:$0x18200] =	vst v63  }
0x1ad: {  	s14 =	simm.s32 $0x17A00  }
0x1ae: {  	[tilespmem:s14], [sflag:$0x9] =	stream.indirect_vreg.gather [hbm4b:s6+s3], $0x80, v3, vm0, $0xb8;
	[tilespmem:$0x18200] =	vst v63  }
0x1af: {  	_ =	swait.ge [sflag:s20], $0x3000  }
0x1b0: {  	[sflag:s20] =	ssyncset.done $0x0  }
0x1b1: {  	s4 =	simm.s32 $0xC200;
	s14 =	rddreg [dreg:$0x10];
	[sflag:s20] =	ssyncadd.s32 $0xFFFFD000  }
0x1b2: {  	[hbm4b:s14+s3] =	stream.linear.scatter [tilespmem:s4], [sflag:$0xE], $0x3000, $0x38;
	[tilespmem:$0x18200] =	vst v63  }
0x1b3: {  	_ =	swait.ge [sflag:s22], $0x3000  }
0x1b4: {  	[sflag:s22] =	ssyncset.done $0x0  }
0x1b5: {  	[sflag:s22] =	ssyncadd.s32 $0xFFFFD000  }
0x1b6: {  	v3 =	vld [tilespmem:$0x100];
	_ =	sdelay $0x4  }
0x1b7: {  	v48 =	vshrl.u32 v3, $0x3  }
0x1b8: {  	v4 =	vmul.u32 $0x30, v48  }
0x1b9: {  	v3 =	vand.u32 $0x7, v3  }
0x1ba: {  	v3 =	vor.u32 v3, v4  }
0x1bb: {  	v4 =	vperm.xlane v3, v0;
	_ =	sdelay $0x1  }
0x1bc: {  	v4 =	vadd.s32 v1, v4;
	_ =	sdelay $0x3  }
0x1bd: {  	s25 =	simm.s32 $0x200;
	v3 =	vperm.xlane v3, v2  }
0x1be: {  	[tilespmem:s25], [sflag:$0x2] =	stream.indirect_vreg.gather [hbm4b:s2+s3], $0x80, v4, vm0, $0xb8;
	[tilespmem:$0x18200] =	vst v63  }
0x1bf: {  	s14 =	simm.s32 $0xA00;
	v3 =	vadd.s32 v1, v3  }
0x1c0: {  	[tilespmem:s14], [sflag:$0x2] =	stream.indirect_vreg.gather [hbm4b:s5+s3], $0x80, v4, vm0, $0xb8;
	[tilespmem:$0x18200] =	vst v63  }
0x1c1: {  	s14 =	simm.s32 $0x1200  }
0x1c2: {  	[tilespmem:s14], [sflag:$0x2] =	stream.indirect_vreg.gather [hbm4b:s6+s3], $0x80, v4, vm0, $0xb8;
	[tilespmem:$0x18200] =	vst v63  }
0x1c3: {  	s14 =	simm.s32 $0x1A00  }
0x1c4: {  	[tilespmem:s14], [sflag:$0x2] =	stream.indirect_vreg.gather [hbm4b:s2+s3], $0x80, v3, vm0, $0xb8;
	[tilespmem:$0x18200] =	vst v63  }
0x1c5: {  	s14 =	simm.s32 $0x2200  }
0x1c6: {  	[tilespmem:s14], [sflag:$0x2] =	stream.indirect_vreg.gather [hbm4b:s5+s3], $0x80, v3, vm0, $0xb8;
	[tilespmem:$0x18200] =	vst v63  }
0x1c7: {  	s14 =	simm.s32 $0x2A00  }
0x1c8: {  	[tilespmem:s14], [sflag:$0x2] =	stream.indirect_vreg.gather [hbm4b:s6+s3], $0x80, v3, vm0, $0xb8;
	[tilespmem:$0x18200] =	vst v63  }
0x1c9: {  	_ =	swait.ge [sflag:s23], $0x3000  }
0x1ca: {  	[sflag:s23] =	ssyncset.done $0x0  }
0x1cb: {  	s11 =	simm.s32 $0xF200;
	s4 =	rddreg [dreg:$0x11];
	[sflag:s23] =	ssyncadd.s32 $0xFFFFD000  }
0x1cc: {  	[hbm4b:s4+s3] =	stream.linear.scatter [tilespmem:s11], [sflag:$0xF], $0x3000, $0x38;
	[tilespmem:$0x18200] =	vst v63  }
0x1cd: {  	_ =	swait.ge [sflag:s26], $0x3000  }
0x1ce: {  	[sflag:s26] =	ssyncset.done $0x0  }
0x1cf: {  	[sflag:s26] =	ssyncadd.s32 $0xFFFFD000  }
0x1d0: {  	v3 =	vld [tilespmem:$0x110];
	_ =	sdelay $0x4  }
0x1d1: {  	v49 =	vshrl.u32 v3, $0x3  }
0x1d2: {  	v4 =	vmul.u32 $0x30, v49  }
0x1d3: {  	v3 =	vand.u32 $0x7, v3  }
0x1d4: {  	v3 =	vor.u32 v3, v4  }
0x1d5: {  	v4 =	vperm.xlane v3, v0;
	_ =	sdelay $0x1  }
0x1d6: {  	v4 =	vadd.s32 v1, v4;
	_ =	sdelay $0x3  }
0x1d7: {  	s21 =	simm.s32 $0x3200;
	v3 =	vperm.xlane v3, v2  }
0x1d8: {  	[tilespmem:s21], [sflag:$0x3] =	stream.indirect_vreg.gather [hbm4b:s2+s3], $0x80, v4, vm0, $0xb8;
	[tilespmem:$0x18200] =	vst v63  }
0x1d9: {  	s14 =	simm.s32 $0x3A00;
	v3 =	vadd.s32 v1, v3  }
0x1da: {  	[tilespmem:s14], [sflag:$0x3] =	stream.indirect_vreg.gather [hbm4b:s5+s3], $0x80, v4, vm0, $0xb8;
	[tilespmem:$0x18200] =	vst v63  }
0x1db: {  	s21 =	simm.s32 $0x4200  }
0x1dc: {  	[tilespmem:s21], [sflag:$0x3] =	stream.indirect_vreg.gather [hbm4b:s6+s3], $0x80, v4, vm0, $0xb8;
	[tilespmem:$0x18200] =	vst v63  }
0x1dd: {  	_ = 	snop  }
0x1de: {  	[tilespmem:s9], [sflag:$0x3] =	stream.indirect_vreg.gather [hbm4b:s2+s3], $0x80, v3, vm0, $0xb8;
	[tilespmem:$0x18200] =	vst v63  }
0x1df: {  	s14 =	simm.s32 $0x5200  }
0x1e0: {  	[tilespmem:s14], [sflag:$0x3] =	stream.indirect_vreg.gather [hbm4b:s5+s3], $0x80, v3, vm0, $0xb8;
	[tilespmem:$0x18200] =	vst v63  }
0x1e1: {  	s21 =	simm.s32 $0x5A00  }
0x1e2: {  	[tilespmem:s21], [sflag:$0x3] =	stream.indirect_vreg.gather [hbm4b:s6+s3], $0x80, v3, vm0, $0xb8;
	[tilespmem:$0x18200] =	vst v63  }
0x1e3: {  	_ =	swait.ge [sflag:s29], $0x3000  }
0x1e4: {  	[sflag:s29] =	ssyncset.done $0x0  }
0x1e5: {  	s4 =	rddreg [dreg:$0x12];
	[sflag:s29] =	ssyncadd.s32 $0xFFFFD000  }
0x1e6: {  	[hbm4b:s4+s3] =	stream.linear.scatter [tilespmem:s10], [sflag:$0x10], $0x3000, $0x38;
	[tilespmem:$0x18200] =	vst v63  }
0x1e7: {  	_ =	swait.ge [sflag:s30], $0x3000  }
0x1e8: {  	[sflag:s30] =	ssyncset.done $0x0  }
0x1e9: {  	[sflag:s30] =	ssyncadd.s32 $0xFFFFD000  }
0x1ea: {  	v3 =	vld [tilespmem:$0x120];
	_ =	sdelay $0x4  }
0x1eb: {  	v50 =	vshrl.u32 v3, $0x3  }
0x1ec: {  	v4 =	vmul.u32 $0x30, v50  }
0x1ed: {  	v3 =	vand.u32 $0x7, v3  }
0x1ee: {  	v3 =	vor.u32 v3, v4  }
0x1ef: {  	v4 =	vperm.xlane v3, v0;
	_ =	sdelay $0x1  }
0x1f0: {  	v4 =	vadd.s32 v1, v4;
	_ =	sdelay $0x3  }
0x1f1: {  	v3 =	vperm.xlane v3, v2  }
0x1f2: {  	[tilespmem:s18], [sflag:$0x4] =	stream.indirect_vreg.gather [hbm4b:s2+s3], $0x80, v4, vm0, $0xb8;
	[tilespmem:$0x18200] =	vst v63  }
0x1f3: {  	s9 =	simm.s32 $0x6A00;
	v3 =	vadd.s32 v1, v3  }
0x1f4: {  	[tilespmem:s9], [sflag:$0x4] =	stream.indirect_vreg.gather [hbm4b:s5+s3], $0x80, v4, vm0, $0xb8;
	[tilespmem:$0x18200] =	vst v63  }
0x1f5: {  	s14 =	simm.s32 $0x7200  }
0x1f6: {  	[tilespmem:s14], [sflag:$0x4] =	stream.indirect_vreg.gather [hbm4b:s6+s3], $0x80, v4, vm0, $0xb8;
	[tilespmem:$0x18200] =	vst v63  }
0x1f7: {  	s21 =	simm.s32 $0x7A00  }
0x1f8: {  	[tilespmem:s21], [sflag:$0x4] =	stream.indirect_vreg.gather [hbm4b:s2+s3], $0x80, v3, vm0, $0xb8;
	[tilespmem:$0x18200] =	vst v63  }
0x1f9: {  	s18 =	simm.s32 $0x8200  }
0x1fa: {  	[tilespmem:s18], [sflag:$0x4] =	stream.indirect_vreg.gather [hbm4b:s5+s3], $0x80, v3, vm0, $0xb8;
	[tilespmem:$0x18200] =	vst v63  }
0x1fb: {  	s4 =	simm.s32 $0x8A00  }
0x1fc: {  	[tilespmem:s4], [sflag:$0x4] =	stream.indirect_vreg.gather [hbm4b:s6+s3], $0x80, v3, vm0, $0xb8;
	[tilespmem:$0x18200] =	vst v63  }
0x1fd: {  	_ =	swait.ge [sflag:s31], $0x3000  }
0x1fe: {  	[sflag:s31] =	ssyncset.done $0x0  }
0x1ff: {  	s9 =	rddreg [dreg:$0x13];
	[sflag:s31] =	ssyncadd.s32 $0xFFFFD000  }
0x200: {  	[hbm4b:s9+s3] =	stream.linear.scatter [tilespmem:s8], [sflag:$0x11], $0x3000, $0x38;
	[tilespmem:$0x18200] =	vst v63  }
0x201: {  	_ =	swait.ge [sflag:s1], $0x3000  }
0x202: {  	[sflag:s1] =	ssyncset.done $0x0  }
0x203: {  	[sflag:s1] =	ssyncadd.s32 $0xFFFFD000  }
0x204: {  	v3 =	vld [tilespmem:$0x130];
	_ =	sdelay $0x4  }
0x205: {  	v51 =	vshrl.u32 v3, $0x3  }
0x206: {  	v4 =	vmul.u32 $0x30, v51  }
0x207: {  	v3 =	vand.u32 $0x7, v3  }
0x208: {  	v3 =	vor.u32 v3, v4  }
0x209: {  	v4 =	vperm.xlane v3, v0;
	_ =	sdelay $0x1  }
0x20a: {  	v4 =	vadd.s32 v1, v4;
	_ =	sdelay $0x3  }
0x20b: {  	v3 =	vperm.xlane v3, v2  }
0x20c: {  	[tilespmem:s17], [sflag:$0x5] =	stream.indirect_vreg.gather [hbm4b:s2+s3], $0x80, v4, vm0, $0xb8;
	[tilespmem:$0x18200] =	vst v63  }
0x20d: {  	v3 =	vadd.s32 v1, v3;
	s17 =	simm.s32 $0x9A00  }
0x20e: {  	[tilespmem:s17], [sflag:$0x5] =	stream.indirect_vreg.gather [hbm4b:s5+s3], $0x80, v4, vm0, $0xb8;
	[tilespmem:$0x18200] =	vst v63  }
0x20f: {  	s18 =	simm.s32 $0xA200  }
0x210: {  	[tilespmem:s18], [sflag:$0x5] =	stream.indirect_vreg.gather [hbm4b:s6+s3], $0x80, v4, vm0, $0xb8;
	[tilespmem:$0x18200] =	vst v63  }
0x211: {  	s4 =	simm.s32 $0xAA00  }
0x212: {  	[tilespmem:s4], [sflag:$0x5] =	stream.indirect_vreg.gather [hbm4b:s2+s3], $0x80, v3, vm0, $0xb8;
	[tilespmem:$0x18200] =	vst v63  }
0x213: {  	_ = 	snop  }
0x214: {  	[tilespmem:s28], [sflag:$0x5] =	stream.indirect_vreg.gather [hbm4b:s5+s3], $0x80, v3, vm0, $0xb8;
	[tilespmem:$0x18200] =	vst v63  }
0x215: {  	s9 =	simm.s32 $0xBA00  }
0x216: {  	[tilespmem:s9], [sflag:$0x5] =	stream.indirect_vreg.gather [hbm4b:s6+s3], $0x80, v3, vm0, $0xb8;
	[tilespmem:$0x18200] =	vst v63  }
0x217: {  	_ =	swait.ge [sflag:s16], $0x3000  }
0x218: {  	[sflag:s16] =	ssyncset.done $0x0  }
0x219: {  	s17 =	rddreg [dreg:$0x14];
	[sflag:s16] =	ssyncadd.s32 $0xFFFFD000  }
0x21a: {  	[hbm4b:s17+s3] =	stream.linear.scatter [tilespmem:s25], [sflag:$0xA], $0x3000, $0x38;
	[tilespmem:$0x18200] =	vst v63  }
0x21b: {  	_ =	swait.ge [sflag:s15], $0x3000  }
0x21c: {  	[sflag:s15] =	ssyncset.done $0x0  }
0x21d: {  	[sflag:s15] =	ssyncadd.s32 $0xFFFFD000  }
0x21e: {  	v3 =	vld [tilespmem:$0x140];
	_ =	sdelay $0x4  }
0x21f: {  	v52 =	vshrl.u32 v3, $0x3  }
0x220: {  	v4 =	vmul.u32 $0x30, v52  }
0x221: {  	v3 =	vand.u32 $0x7, v3  }
0x222: {  	v3 =	vor.u32 v3, v4  }
0x223: {  	v4 =	vperm.xlane v3, v0;
	_ =	sdelay $0x1  }
0x224: {  	v4 =	vadd.s32 v1, v4;
	_ =	sdelay $0x3  }
0x225: {  	s4 =	simm.s32 $0xC200;
	v3 =	vperm.xlane v3, v2  }
0x226: {  	[tilespmem:s4], [sflag:$0x6] =	stream.indirect_vreg.gather [hbm4b:s2+s3], $0x80, v4, vm0, $0xb8;
	[tilespmem:$0x18200] =	vst v63  }
0x227: {  	s28 =	simm.s32 $0xCA00;
	v3 =	vadd.s32 v1, v3  }
0x228: {  	[tilespmem:s28], [sflag:$0x6] =	stream.indirect_vreg.gather [hbm4b:s5+s3], $0x80, v4, vm0, $0xb8;
	[tilespmem:$0x18200] =	vst v63  }
0x229: {  	s14 =	simm.s32 $0xD200  }
0x22a: {  	[tilespmem:s14], [sflag:$0x6] =	stream.indirect_vreg.gather [hbm4b:s6+s3], $0x80, v4, vm0, $0xb8;
	[tilespmem:$0x18200] =	vst v63  }
0x22b: {  	s17 =	simm.s32 $0xDA00  }
0x22c: {  	[tilespmem:s17], [sflag:$0x6] =	stream.indirect_vreg.gather [hbm4b:s2+s3], $0x80, v3, vm0, $0xb8;
	[tilespmem:$0x18200] =	vst v63  }
0x22d: {  	s25 =	simm.s32 $0xE200  }
0x22e: {  	[tilespmem:s25], [sflag:$0x6] =	stream.indirect_vreg.gather [hbm4b:s5+s3], $0x80, v3, vm0, $0xb8;
	[tilespmem:$0x18200] =	vst v63  }
0x22f: {  	s28 =	simm.s32 $0xEA00  }
0x230: {  	[tilespmem:s28], [sflag:$0x6] =	stream.indirect_vreg.gather [hbm4b:s6+s3], $0x80, v3, vm0, $0xb8;
	[tilespmem:$0x18200] =	vst v63  }
0x231: {  	_ =	swait.ge [sflag:s24], $0x3000  }
0x232: {  	[sflag:s24] =	ssyncset.done $0x0  }
0x233: {  	s11 =	simm.s32 $0x3200;
	s9 =	rddreg [dreg:$0x15];
	[sflag:s24] =	ssyncadd.s32 $0xFFFFD000  }
0x234: {  	[hbm4b:s9+s3] =	stream.linear.scatter [tilespmem:s11], [sflag:$0xB], $0x3000, $0x38;
	[tilespmem:$0x18200] =	vst v63  }
0x235: {  	_ =	swait.ge [sflag:s12], $0x3000  }
0x236: {  	[sflag:s12] =	ssyncset.done $0x0  }
0x237: {  	[sflag:s12] =	ssyncadd.s32 $0xFFFFD000  }
0x238: {  	v3 =	vld [tilespmem:$0x150];
	_ =	sdelay $0x4  }
0x239: {  	v53 =	vshrl.u32 v3, $0x3  }
0x23a: {  	v4 =	vmul.u32 $0x30, v53  }
0x23b: {  	v3 =	vand.u32 $0x7, v3  }
0x23c: {  	v3 =	vor.u32 v3, v4  }
0x23d: {  	v4 =	vperm.xlane v3, v0;
	_ =	sdelay $0x1  }
0x23e: {  	v4 =	vadd.s32 v1, v4;
	_ =	sdelay $0x3  }
0x23f: {  	s28 =	simm.s32 $0xF200;
	v3 =	vperm.xlane v3, v2  }
0x240: {  	[tilespmem:s28], [sflag:$0x7] =	stream.indirect_vreg.gather [hbm4b:s2+s3], $0x80, v4, vm0, $0xb8;
	[tilespmem:$0x18200] =	vst v63  }
0x241: {  	s14 =	simm.s32 $0xFA00;
	v3 =	vadd.s32 v1, v3  }
0x242: {  	[tilespmem:s14], [sflag:$0x7] =	stream.indirect_vreg.gather [hbm4b:s5+s3], $0x80, v4, vm0, $0xb8;
	[tilespmem:$0x18200] =	vst v63  }
0x243: {  	s25 =	simm.s32 $0x10200  }
0x244: {  	[tilespmem:s25], [sflag:$0x7] =	stream.indirect_vreg.gather [hbm4b:s6+s3], $0x80, v4, vm0, $0xb8;
	[tilespmem:$0x18200] =	vst v63  }
0x245: {  	s11 =	simm.s32 $0x10A00  }
0x246: {  	[tilespmem:s11], [sflag:$0x7] =	stream.indirect_vreg.gather [hbm4b:s2+s3], $0x80, v3, vm0, $0xb8;
	[tilespmem:$0x18200] =	vst v63  }
0x247: {  	s14 =	simm.s32 $0x11200  }
0x248: {  	[tilespmem:s14], [sflag:$0x7] =	stream.indirect_vreg.gather [hbm4b:s5+s3], $0x80, v3, vm0, $0xb8;
	[tilespmem:$0x18200] =	vst v63  }
0x249: {  	s25 =	simm.s32 $0x11A00  }
0x24a: {  	[tilespmem:s25], [sflag:$0x7] =	stream.indirect_vreg.gather [hbm4b:s6+s3], $0x80, v3, vm0, $0xb8;
	[tilespmem:$0x18200] =	vst v63  }
0x24b: {  	_ =	swait.ge [sflag:s0], $0x3000  }
0x24c: {  	[sflag:s0] =	ssyncset.done $0x0  }
0x24d: {  	s25 =	simm.s32 $0x6200;
	s11 =	rddreg [dreg:$0x16];
	[sflag:s0] =	ssyncadd.s32 $0xFFFFD000  }
0x24e: {  	[hbm4b:s11+s3] =	stream.linear.scatter [tilespmem:s25], [sflag:$0xC], $0x3000, $0x38;
	[tilespmem:$0x18200] =	vst v63  }
0x24f: {  	_ =	swait.ge [sflag:s13], $0x3000  }
0x250: {  	[sflag:s13] =	ssyncset.done $0x0  }
0x251: {  	[sflag:s13] =	ssyncadd.s32 $0xFFFFD000  }
0x252: {  	v3 =	vld [tilespmem:$0x160];
	_ =	sdelay $0x4  }
0x253: {  	v54 =	vshrl.u32 v3, $0x3  }
0x254: {  	v4 =	vmul.u32 $0x30, v54  }
0x255: {  	v3 =	vand.u32 $0x7, v3  }
0x256: {  	v3 =	vor.u32 v3, v4  }
0x257: {  	v4 =	vperm.xlane v3, v0;
	_ =	sdelay $0x1  }
0x258: {  	v4 =	vadd.s32 v1, v4;
	_ =	sdelay $0x3  }
0x259: {  	v3 =	vperm.xlane v3, v2  }
0x25a: {  	[tilespmem:s10], [sflag:$0x8] =	stream.indirect_vreg.gather [hbm4b:s2+s3], $0x80, v4, vm0, $0xb8;
	[tilespmem:$0x18200] =	vst v63  }
0x25b: {  	s14 =	simm.s32 $0x12A00;
	v3 =	vadd.s32 v1, v3  }
0x25c: {  	[tilespmem:s14], [sflag:$0x8] =	stream.indirect_vreg.gather [hbm4b:s5+s3], $0x80, v4, vm0, $0xb8;
	[tilespmem:$0x18200] =	vst v63  }
0x25d: {  	s11 =	simm.s32 $0x13200  }
0x25e: {  	[tilespmem:s11], [sflag:$0x8] =	stream.indirect_vreg.gather [hbm4b:s6+s3], $0x80, v4, vm0, $0xb8;
	[tilespmem:$0x18200] =	vst v63  }
0x25f: {  	s14 =	simm.s32 $0x13A00  }
0x260: {  	[tilespmem:s14], [sflag:$0x8] =	stream.indirect_vreg.gather [hbm4b:s2+s3], $0x80, v3, vm0, $0xb8;
	[tilespmem:$0x18200] =	vst v63  }
0x261: {  	s11 =	simm.s32 $0x14200  }
0x262: {  	[tilespmem:s11], [sflag:$0x8] =	stream.indirect_vreg.gather [hbm4b:s5+s3], $0x80, v3, vm0, $0xb8;
	[tilespmem:$0x18200] =	vst v63  }
0x263: {  	s14 =	simm.s32 $0x14A00  }
0x264: {  	[tilespmem:s14], [sflag:$0x8] =	stream.indirect_vreg.gather [hbm4b:s6+s3], $0x80, v3, vm0, $0xb8;
	[tilespmem:$0x18200] =	vst v63  }
0x265: {  	_ =	swait.ge [sflag:s19], $0x3000  }
0x266: {  	[sflag:s19] =	ssyncset.done $0x0  }
0x267: {  	s11 =	simm.s32 $0x9200;
	s9 =	rddreg [dreg:$0x17];
	[sflag:s19] =	ssyncadd.s32 $0xFFFFD000  }
0x268: {  	[hbm4b:s9+s3] =	stream.linear.scatter [tilespmem:s11], [sflag:$0xD], $0x3000, $0x38;
	[tilespmem:$0x18200] =	vst v63  }
0x269: {  	_ =	swait.ge [sflag:s7], $0x3000  }
0x26a: {  	[sflag:s7] =	ssyncset.done $0x0  }
0x26b: {  	[sflag:s7] =	ssyncadd.s32 $0xFFFFD000  }
0x26c: {  	v3 =	vld [tilespmem:$0x170];
	_ =	sdelay $0x4  }
0x26d: {  	v55 =	vshrl.u32 v3, $0x3  }
0x26e: {  	v4 =	vmul.u32 $0x30, v55  }
0x26f: {  	v3 =	vand.u32 $0x7, v3  }
0x270: {  	v3 =	vor.u32 v3, v4  }
0x271: {  	v4 =	vperm.xlane v3, v0;
	_ =	sdelay $0x1  }
0x272: {  	v4 =	vadd.s32 v1, v4;
	_ =	sdelay $0x3  }
0x273: {  	v3 =	vperm.xlane v3, v2  }
0x274: {  	[tilespmem:s8], [sflag:$0x9] =	stream.indirect_vreg.gather [hbm4b:s2+s3], $0x80, v4, vm0, $0xb8;
	[tilespmem:$0x18200] =	vst v63  }
0x275: {  	s14 =	simm.s32 $0x15A00;
	v3 =	vadd.s32 v1, v3  }
0x276: {  	[tilespmem:s14], [sflag:$0x9] =	stream.indirect_vreg.gather [hbm4b:s5+s3], $0x80, v4, vm0, $0xb8;
	[tilespmem:$0x18200] =	vst v63  }
0x277: {  	s14 =	simm.s32 $0x16200  }
0x278: {  	[tilespmem:s14], [sflag:$0x9] =	stream.indirect_vreg.gather [hbm4b:s6+s3], $0x80, v4, vm0, $0xb8;
	[tilespmem:$0x18200] =	vst v63  }
0x279: {  	s14 =	simm.s32 $0x16A00  }
0x27a: {  	[tilespmem:s14], [sflag:$0x9] =	stream.indirect_vreg.gather [hbm4b:s2+s3], $0x80, v3, vm0, $0xb8;
	[tilespmem:$0x18200] =	vst v63  }
0x27b: {  	s14 =	simm.s32 $0x17200  }
0x27c: {  	[tilespmem:s14], [sflag:$0x9] =	stream.indirect_vreg.gather [hbm4b:s5+s3], $0x80, v3, vm0, $0xb8;
	[tilespmem:$0x18200] =	vst v63  }
0x27d: {  	s14 =	simm.s32 $0x17A00  }
0x27e: {  	[tilespmem:s14], [sflag:$0x9] =	stream.indirect_vreg.gather [hbm4b:s6+s3], $0x80, v3, vm0, $0xb8;
	[tilespmem:$0x18200] =	vst v63  }
0x27f: {  	_ =	swait.ge [sflag:s20], $0x3000  }
0x280: {  	[sflag:s20] =	ssyncset.done $0x0  }
0x281: {  	s9 =	rddreg [dreg:$0x18];
	[sflag:s20] =	ssyncadd.s32 $0xFFFFD000  }
0x282: {  	[hbm4b:s9+s3] =	stream.linear.scatter [tilespmem:s4], [sflag:$0xE], $0x3000, $0x38;
	[tilespmem:$0x18200] =	vst v63  }
0x283: {  	_ =	swait.ge [sflag:s22], $0x3000  }
0x284: {  	[sflag:s22] =	ssyncset.done $0x0  }
0x285: {  	[sflag:s22] =	ssyncadd.s32 $0xFFFFD000  }
0x286: {  	v3 =	vld [tilespmem:$0x180];
	_ =	sdelay $0x4  }
0x287: {  	v56 =	vshrl.u32 v3, $0x3  }
0x288: {  	v4 =	vmul.u32 $0x30, v56  }
0x289: {  	v3 =	vand.u32 $0x7, v3  }
0x28a: {  	v3 =	vor.u32 v3, v4  }
0x28b: {  	v4 =	vperm.xlane v3, v0;
	_ =	sdelay $0x1  }
0x28c: {  	v4 =	vadd.s32 v1, v4;
	_ =	sdelay $0x3  }
0x28d: {  	s4 =	simm.s32 $0x200;
	v3 =	vperm.xlane v3, v2  }
0x28e: {  	[tilespmem:s4], [sflag:$0x2] =	stream.indirect_vreg.gather [hbm4b:s2+s3], $0x80, v4, vm0, $0xb8;
	[tilespmem:$0x18200] =	vst v63  }
0x28f: {  	s14 =	simm.s32 $0xA00;
	v3 =	vadd.s32 v1, v3  }
0x290: {  	[tilespmem:s14], [sflag:$0x2] =	stream.indirect_vreg.gather [hbm4b:s5+s3], $0x80, v4, vm0, $0xb8;
	[tilespmem:$0x18200] =	vst v63  }
0x291: {  	s14 =	simm.s32 $0x1200  }
0x292: {  	[tilespmem:s14], [sflag:$0x2] =	stream.indirect_vreg.gather [hbm4b:s6+s3], $0x80, v4, vm0, $0xb8;
	[tilespmem:$0x18200] =	vst v63  }
0x293: {  	s14 =	simm.s32 $0x1A00  }
0x294: {  	[tilespmem:s14], [sflag:$0x2] =	stream.indirect_vreg.gather [hbm4b:s2+s3], $0x80, v3, vm0, $0xb8;
	[tilespmem:$0x18200] =	vst v63  }
0x295: {  	s14 =	simm.s32 $0x2200  }
0x296: {  	[tilespmem:s14], [sflag:$0x2] =	stream.indirect_vreg.gather [hbm4b:s5+s3], $0x80, v3, vm0, $0xb8;
	[tilespmem:$0x18200] =	vst v63  }
0x297: {  	s14 =	simm.s32 $0x2A00  }
0x298: {  	[tilespmem:s14], [sflag:$0x2] =	stream.indirect_vreg.gather [hbm4b:s6+s3], $0x80, v3, vm0, $0xb8;
	[tilespmem:$0x18200] =	vst v63  }
0x299: {  	_ =	swait.ge [sflag:s23], $0x3000  }
0x29a: {  	[sflag:s23] =	ssyncset.done $0x0  }
0x29b: {  	s14 =	rddreg [dreg:$0x19];
	[sflag:s23] =	ssyncadd.s32 $0xFFFFD000  }
0x29c: {  	[hbm4b:s14+s3] =	stream.linear.scatter [tilespmem:s28], [sflag:$0xF], $0x3000, $0x38;
	[tilespmem:$0x18200] =	vst v63  }
0x29d: {  	_ =	swait.ge [sflag:s26], $0x3000  }
0x29e: {  	[sflag:s26] =	ssyncset.done $0x0  }
0x29f: {  	[sflag:s26] =	ssyncadd.s32 $0xFFFFD000  }
0x2a0: {  	v3 =	vld [tilespmem:$0x190];
	_ =	sdelay $0x4  }
0x2a1: {  	v57 =	vshrl.u32 v3, $0x3  }
0x2a2: {  	v4 =	vmul.u32 $0x30, v57  }
0x2a3: {  	v3 =	vand.u32 $0x7, v3  }
0x2a4: {  	v3 =	vor.u32 v3, v4  }
0x2a5: {  	v4 =	vperm.xlane v3, v0;
	_ =	sdelay $0x1  }
0x2a6: {  	v4 =	vadd.s32 v1, v4;
	_ =	sdelay $0x3  }
0x2a7: {  	s17 =	simm.s32 $0x3200;
	v3 =	vperm.xlane v3, v2  }
0x2a8: {  	[tilespmem:s17], [sflag:$0x3] =	stream.indirect_vreg.gather [hbm4b:s2+s3], $0x80, v4, vm0, $0xb8;
	[tilespmem:$0x18200] =	vst v63  }
0x2a9: {  	s14 =	simm.s32 $0x3A00;
	v3 =	vadd.s32 v1, v3  }
0x2aa: {  	[tilespmem:s14], [sflag:$0x3] =	stream.indirect_vreg.gather [hbm4b:s5+s3], $0x80, v4, vm0, $0xb8;
	[tilespmem:$0x18200] =	vst v63  }
0x2ab: {  	s14 =	simm.s32 $0x4200  }
0x2ac: {  	[tilespmem:s14], [sflag:$0x3] =	stream.indirect_vreg.gather [hbm4b:s6+s3], $0x80, v4, vm0, $0xb8;
	[tilespmem:$0x18200] =	vst v63  }
0x2ad: {  	s14 =	simm.s32 $0x4A00  }
0x2ae: {  	[tilespmem:s14], [sflag:$0x3] =	stream.indirect_vreg.gather [hbm4b:s2+s3], $0x80, v3, vm0, $0xb8;
	[tilespmem:$0x18200] =	vst v63  }
0x2af: {  	s14 =	simm.s32 $0x5200  }
0x2b0: {  	[tilespmem:s14], [sflag:$0x3] =	stream.indirect_vreg.gather [hbm4b:s5+s3], $0x80, v3, vm0, $0xb8;
	[tilespmem:$0x18200] =	vst v63  }
0x2b1: {  	s14 =	simm.s32 $0x5A00  }
0x2b2: {  	[tilespmem:s14], [sflag:$0x3] =	stream.indirect_vreg.gather [hbm4b:s6+s3], $0x80, v3, vm0, $0xb8;
	[tilespmem:$0x18200] =	vst v63  }
0x2b3: {  	_ =	swait.ge [sflag:s29], $0x3000  }
0x2b4: {  	[sflag:s29] =	ssyncset.done $0x0  }
0x2b5: {  	s14 =	rddreg [dreg:$0x1a];
	[sflag:s29] =	ssyncadd.s32 $0xFFFFD000  }
0x2b6: {  	[hbm4b:s14+s3] =	stream.linear.scatter [tilespmem:s10], [sflag:$0x10], $0x3000, $0x38;
	[tilespmem:$0x18200] =	vst v63  }
0x2b7: {  	_ =	swait.ge [sflag:s30], $0x3000  }
0x2b8: {  	[sflag:s30] =	ssyncset.done $0x0  }
0x2b9: {  	[sflag:s30] =	ssyncadd.s32 $0xFFFFD000  }
0x2ba: {  	v3 =	vld [tilespmem:$0x1A0];
	_ =	sdelay $0x4  }
0x2bb: {  	v58 =	vshrl.u32 v3, $0x3  }
0x2bc: {  	v4 =	vmul.u32 $0x30, v58  }
0x2bd: {  	v3 =	vand.u32 $0x7, v3  }
0x2be: {  	v3 =	vor.u32 v3, v4  }
0x2bf: {  	v4 =	vperm.xlane v3, v0;
	_ =	sdelay $0x1  }
0x2c0: {  	v4 =	vadd.s32 v1, v4;
	_ =	sdelay $0x3  }
0x2c1: {  	v3 =	vperm.xlane v3, v2  }
0x2c2: {  	[tilespmem:s25], [sflag:$0x4] =	stream.indirect_vreg.gather [hbm4b:s2+s3], $0x80, v4, vm0, $0xb8;
	[tilespmem:$0x18200] =	vst v63  }
0x2c3: {  	s14 =	simm.s32 $0x6A00;
	v3 =	vadd.s32 v1, v3  }
0x2c4: {  	[tilespmem:s14], [sflag:$0x4] =	stream.indirect_vreg.gather [hbm4b:s5+s3], $0x80, v4, vm0, $0xb8;
	[tilespmem:$0x18200] =	vst v63  }
0x2c5: {  	s14 =	simm.s32 $0x7200  }
0x2c6: {  	[tilespmem:s14], [sflag:$0x4] =	stream.indirect_vreg.gather [hbm4b:s6+s3], $0x80, v4, vm0, $0xb8;
	[tilespmem:$0x18200] =	vst v63  }
0x2c7: {  	_ = 	snop  }
0x2c8: {  	[tilespmem:s21], [sflag:$0x4] =	stream.indirect_vreg.gather [hbm4b:s2+s3], $0x80, v3, vm0, $0xb8;
	[tilespmem:$0x18200] =	vst v63  }
0x2c9: {  	s21 =	simm.s32 $0x8200  }
0x2ca: {  	[tilespmem:s21], [sflag:$0x4] =	stream.indirect_vreg.gather [hbm4b:s5+s3], $0x80, v3, vm0, $0xb8;
	[tilespmem:$0x18200] =	vst v63  }
0x2cb: {  	s21 =	simm.s32 $0x8A00  }
0x2cc: {  	[tilespmem:s21], [sflag:$0x4] =	stream.indirect_vreg.gather [hbm4b:s6+s3], $0x80, v3, vm0, $0xb8;
	[tilespmem:$0x18200] =	vst v63  }
0x2cd: {  	_ =	swait.ge [sflag:s31], $0x3000  }
0x2ce: {  	[sflag:s31] =	ssyncset.done $0x0  }
0x2cf: {  	s21 =	rddreg [dreg:$0x1b];
	[sflag:s31] =	ssyncadd.s32 $0xFFFFD000  }
0x2d0: {  	[hbm4b:s21+s3] =	stream.linear.scatter [tilespmem:s8], [sflag:$0x11], $0x3000, $0x38;
	[tilespmem:$0x18200] =	vst v63  }
0x2d1: {  	_ =	swait.ge [sflag:s1], $0x3000  }
0x2d2: {  	[sflag:s1] =	ssyncset.done $0x0  }
0x2d3: {  	[sflag:s1] =	ssyncadd.s32 $0xFFFFD000  }
0x2d4: {  	v3 =	vld [tilespmem:$0x1B0];
	_ =	sdelay $0x4  }
0x2d5: {  	v59 =	vshrl.u32 v3, $0x3  }
0x2d6: {  	v4 =	vmul.u32 $0x30, v59  }
0x2d7: {  	v3 =	vand.u32 $0x7, v3  }
0x2d8: {  	v3 =	vor.u32 v3, v4  }
0x2d9: {  	v4 =	vperm.xlane v3, v0;
	_ =	sdelay $0x1  }
0x2da: {  	v4 =	vadd.s32 v1, v4;
	_ =	sdelay $0x3  }
0x2db: {  	v3 =	vperm.xlane v3, v2  }
0x2dc: {  	[tilespmem:s11], [sflag:$0x5] =	stream.indirect_vreg.gather [hbm4b:s2+s3], $0x80, v4, vm0, $0xb8;
	[tilespmem:$0x18200] =	vst v63  }
0x2dd: {  	s21 =	simm.s32 $0x9A00;
	v3 =	vadd.s32 v1, v3  }
0x2de: {  	[tilespmem:s21], [sflag:$0x5] =	stream.indirect_vreg.gather [hbm4b:s5+s3], $0x80, v4, vm0, $0xb8;
	[tilespmem:$0x18200] =	vst v63  }
0x2df: {  	s18 =	simm.s32 $0xA200  }
0x2e0: {  	[tilespmem:s18], [sflag:$0x5] =	stream.indirect_vreg.gather [hbm4b:s6+s3], $0x80, v4, vm0, $0xb8;
	[tilespmem:$0x18200] =	vst v63  }
0x2e1: {  	s18 =	simm.s32 $0xAA00  }
0x2e2: {  	[tilespmem:s18], [sflag:$0x5] =	stream.indirect_vreg.gather [hbm4b:s2+s3], $0x80, v3, vm0, $0xb8;
	[tilespmem:$0x18200] =	vst v63  }
0x2e3: {  	s21 =	simm.s32 $0xB200  }
0x2e4: {  	[tilespmem:s21], [sflag:$0x5] =	stream.indirect_vreg.gather [hbm4b:s5+s3], $0x80, v3, vm0, $0xb8;
	[tilespmem:$0x18200] =	vst v63  }
0x2e5: {  	s18 =	simm.s32 $0xBA00  }
0x2e6: {  	[tilespmem:s18], [sflag:$0x5] =	stream.indirect_vreg.gather [hbm4b:s6+s3], $0x80, v3, vm0, $0xb8;
	[tilespmem:$0x18200] =	vst v63  }
0x2e7: {  	_ =	swait.ge [sflag:s16], $0x3000  }
0x2e8: {  	[sflag:s16] =	ssyncset.done $0x0  }
0x2e9: {  	s21 =	rddreg [dreg:$0x1c];
	[sflag:s16] =	ssyncadd.s32 $0xFFFFD000  }
0x2ea: {  	[hbm4b:s21+s3] =	stream.linear.scatter [tilespmem:s4], [sflag:$0xA], $0x3000, $0x38;
	[tilespmem:$0x18200] =	vst v63  }
0x2eb: {  	_ =	swait.ge [sflag:s15], $0x3000  }
0x2ec: {  	[sflag:s15] =	ssyncset.done $0x0  }
0x2ed: {  	[sflag:s15] =	ssyncadd.s32 $0xFFFFD000  }
0x2ee: {  	v3 =	vld [tilespmem:$0x1C0];
	_ =	sdelay $0x4  }
0x2ef: {  	v60 =	vshrl.u32 v3, $0x3  }
0x2f0: {  	v4 =	vmul.u32 $0x30, v60  }
0x2f1: {  	v3 =	vand.u32 $0x7, v3  }
0x2f2: {  	v3 =	vor.u32 v3, v4  }
0x2f3: {  	v4 =	vperm.xlane v3, v0;
	_ =	sdelay $0x1  }
0x2f4: {  	v4 =	vadd.s32 v1, v4;
	_ =	sdelay $0x3  }
0x2f5: {  	s9 =	simm.s32 $0xC200;
	v3 =	vperm.xlane v3, v2  }
0x2f6: {  	[tilespmem:s9], [sflag:$0x6] =	stream.indirect_vreg.gather [hbm4b:s2+s3], $0x80, v4, vm0, $0xb8;
	[tilespmem:$0x18200] =	vst v63  }
0x2f7: {  	s18 =	simm.s32 $0xCA00;
	v3 =	vadd.s32 v1, v3  }
0x2f8: {  	[tilespmem:s18], [sflag:$0x6] =	stream.indirect_vreg.gather [hbm4b:s5+s3], $0x80, v4, vm0, $0xb8;
	[tilespmem:$0x18200] =	vst v63  }
0x2f9: {  	s21 =	simm.s32 $0xD200  }
0x2fa: {  	[tilespmem:s21], [sflag:$0x6] =	stream.indirect_vreg.gather [hbm4b:s6+s3], $0x80, v4, vm0, $0xb8;
	[tilespmem:$0x18200] =	vst v63  }
0x2fb: {  	s14 =	simm.s32 $0xDA00  }
0x2fc: {  	[tilespmem:s14], [sflag:$0x6] =	stream.indirect_vreg.gather [hbm4b:s2+s3], $0x80, v3, vm0, $0xb8;
	[tilespmem:$0x18200] =	vst v63  }
0x2fd: {  	s18 =	simm.s32 $0xE200  }
0x2fe: {  	[tilespmem:s18], [sflag:$0x6] =	stream.indirect_vreg.gather [hbm4b:s5+s3], $0x80, v3, vm0, $0xb8;
	[tilespmem:$0x18200] =	vst v63  }
0x2ff: {  	s21 =	simm.s32 $0xEA00  }
0x300: {  	[tilespmem:s21], [sflag:$0x6] =	stream.indirect_vreg.gather [hbm4b:s6+s3], $0x80, v3, vm0, $0xb8;
	[tilespmem:$0x18200] =	vst v63  }
0x301: {  	_ =	swait.ge [sflag:s24], $0x3000  }
0x302: {  	[sflag:s24] =	ssyncset.done $0x0  }
0x303: {  	s4 =	rddreg [dreg:$0x1d];
	[sflag:s24] =	ssyncadd.s32 $0xFFFFD000  }
0x304: {  	[hbm4b:s4+s3] =	stream.linear.scatter [tilespmem:s17], [sflag:$0xB], $0x3000, $0x38;
	[tilespmem:$0x18200] =	vst v63  }
0x305: {  	_ =	swait.ge [sflag:s12], $0x3000  }
0x306: {  	[sflag:s12] =	ssyncset.done $0x0  }
0x307: {  	[sflag:s12] =	ssyncadd.s32 $0xFFFFD000  }
0x308: {  	v3 =	vld [tilespmem:$0x1D0];
	_ =	sdelay $0x4  }
0x309: {  	v61 =	vshrl.u32 v3, $0x3  }
0x30a: {  	v4 =	vmul.u32 $0x30, v61  }
0x30b: {  	v3 =	vand.u32 $0x7, v3  }
0x30c: {  	v3 =	vor.u32 v3, v4  }
0x30d: {  	v4 =	vperm.xlane v3, v0;
	_ =	sdelay $0x1  }
0x30e: {  	v4 =	vadd.s32 v1, v4;
	_ =	sdelay $0x3  }
0x30f: {  	s28 =	simm.s32 $0xF200;
	v3 =	vperm.xlane v3, v2  }
0x310: {  	[tilespmem:s28], [sflag:$0x7] =	stream.indirect_vreg.gather [hbm4b:s2+s3], $0x80, v4, vm0, $0xb8;
	[tilespmem:$0x18200] =	vst v63  }
0x311: {  	s17 =	simm.s32 $0xFA00;
	v3 =	vadd.s32 v1, v3  }
0x312: {  	[tilespmem:s17], [sflag:$0x7] =	stream.indirect_vreg.gather [hbm4b:s5+s3], $0x80, v4, vm0, $0xb8;
	[tilespmem:$0x18200] =	vst v63  }
0x313: {  	s18 =	simm.s32 $0x10200  }
0x314: {  	[tilespmem:s18], [sflag:$0x7] =	stream.indirect_vreg.gather [hbm4b:s6+s3], $0x80, v4, vm0, $0xb8;
	[tilespmem:$0x18200] =	vst v63  }
0x315: {  	s21 =	simm.s32 $0x10A00  }
0x316: {  	[tilespmem:s21], [sflag:$0x7] =	stream.indirect_vreg.gather [hbm4b:s2+s3], $0x80, v3, vm0, $0xb8;
	[tilespmem:$0x18200] =	vst v63  }
0x317: {  	s14 =	simm.s32 $0x11200  }
0x318: {  	[tilespmem:s14], [sflag:$0x7] =	stream.indirect_vreg.gather [hbm4b:s5+s3], $0x80, v3, vm0, $0xb8;
	[tilespmem:$0x18200] =	vst v63  }
0x319: {  	s17 =	simm.s32 $0x11A00  }
0x31a: {  	[tilespmem:s17], [sflag:$0x7] =	stream.indirect_vreg.gather [hbm4b:s6+s3], $0x80, v3, vm0, $0xb8;
	[tilespmem:$0x18200] =	vst v63  }
0x31b: {  	_ =	swait.ge [sflag:s0], $0x3000  }
0x31c: {  	[sflag:s0] =	ssyncset.done $0x0  }
0x31d: {  	s25 =	simm.s32 $0x6200;
	s18 =	rddreg [dreg:$0x1e];
	[sflag:s0] =	ssyncadd.s32 $0xFFFFD000  }
0x31e: {  	[hbm4b:s18+s3] =	stream.linear.scatter [tilespmem:s25], [sflag:$0xC], $0x3000, $0x38;
	[tilespmem:$0x18200] =	vst v63  }
0x31f: {  	s0 =	sld [smem:$0x7F8];
	_ =	swait.ge [sflag:s13], $0x3000  }
0x320: {  	[sflag:s13] =	ssyncset.done $0x0  }
0x321: {  	[sflag:s13] =	ssyncadd.s32 $0xFFFFD000  }
0x322: {  	v3 =	vld [tilespmem:$0x1E0];
	_ =	sdelay $0x4  }
0x323: {  	v62 =	vshrl.u32 v3, $0x3  }
0x324: {  	v4 =	vmul.u32 $0x30, v62  }
0x325: {  	v3 =	vand.u32 $0x7, v3  }
0x326: {  	v3 =	vor.u32 v3, v4  }
0x327: {  	v4 =	vperm.xlane v3, v0;
	_ =	sdelay $0x1  }
0x328: {  	v4 =	vadd.s32 v1, v4;
	_ =	sdelay $0x3  }
0x329: {  	v3 =	vperm.xlane v3, v2  }
0x32a: {  	[tilespmem:s10], [sflag:$0x8] =	stream.indirect_vreg.gather [hbm4b:s2+s3], $0x80, v4, vm0, $0xb8;
	[tilespmem:$0x18200] =	vst v63  }
0x32b: {  	s21 =	simm.s32 $0x12A00;
	v3 =	vadd.s32 v1, v3  }
0x32c: {  	[tilespmem:s21], [sflag:$0x8] =	stream.indirect_vreg.gather [hbm4b:s5+s3], $0x80, v4, vm0, $0xb8;
	[tilespmem:$0x18200] =	vst v63  }
0x32d: {  	s25 =	simm.s32 $0x13200  }
0x32e: {  	[tilespmem:s25], [sflag:$0x8] =	stream.indirect_vreg.gather [hbm4b:s6+s3], $0x80, v4, vm0, $0xb8;
	[tilespmem:$0x18200] =	vst v63  }
0x32f: {  	s14 =	simm.s32 $0x13A00  }
0x330: {  	[tilespmem:s14], [sflag:$0x8] =	stream.indirect_vreg.gather [hbm4b:s2+s3], $0x80, v3, vm0, $0xb8;
	[tilespmem:$0x18200] =	vst v63  }
0x331: {  	s17 =	simm.s32 $0x14200  }
0x332: {  	[tilespmem:s17], [sflag:$0x8] =	stream.indirect_vreg.gather [hbm4b:s5+s3], $0x80, v3, vm0, $0xb8;
	[tilespmem:$0x18200] =	vst v63  }
0x333: {  	s18 =	simm.s32 $0x14A00  }
0x334: {  	[tilespmem:s18], [sflag:$0x8] =	stream.indirect_vreg.gather [hbm4b:s6+s3], $0x80, v3, vm0, $0xb8;
	[tilespmem:$0x18200] =	vst v63  }
0x335: {  	_ =	swait.ge [sflag:s19], $0x3000  }
0x336: {  	[sflag:s19] =	ssyncset.done $0x0  }
0x337: {  	s11 =	simm.s32 $0x9200;
	s21 =	rddreg [dreg:$0x1f];
	[sflag:s19] =	ssyncadd.s32 $0xFFFFD000  }
0x338: {  	[hbm4b:s21+s3] =	stream.linear.scatter [tilespmem:s11], [sflag:$0xD], $0x3000, $0x38;
	[tilespmem:$0x18200] =	vst v63  }
0x339: {  	_ =	swait.ge [sflag:s7], $0x3000  }
0x33a: {  	[sflag:s7] =	ssyncset.done $0x0  }
0x33b: {  	[sflag:s7] =	ssyncadd.s32 $0xFFFFD000  }
0x33c: {  	v3 =	vld [tilespmem:$0x1F0];
	_ =	sdelay $0x4  }
0x33d: {  	v63 =	vshrl.u32 v3, $0x3  }
0x33e: {  	v4 =	vmul.u32 $0x30, v63  }
0x33f: {  	v3 =	vand.u32 $0x7, v3  }
0x340: {  	v3 =	vor.u32 v3, v4  }
0x341: {  	v4 =	vperm.xlane v3, v0;
	_ =	sdelay $0x1  }
0x342: {  	v4 =	vadd.s32 v1, v4;
	_ =	sdelay $0x3  }
0x343: {  	v3 =	vperm.xlane v3, v2  }
0x344: {  	[tilespmem:s8], [sflag:$0x9] =	stream.indirect_vreg.gather [hbm4b:s2+s3], $0x80, v4, vm0, $0xb8;
	[tilespmem:$0x18200] =	vst v63  }
0x345: {  	s25 =	simm.s32 $0x15A00;
	v3 =	vadd.s32 v1, v3  }
0x346: {  	[tilespmem:s25], [sflag:$0x9] =	stream.indirect_vreg.gather [hbm4b:s5+s3], $0x80, v4, vm0, $0xb8;
	[tilespmem:$0x18200] =	vst v63  }
0x347: {  	s11 =	simm.s32 $0x16200  }
0x348: {  	[tilespmem:s11], [sflag:$0x9] =	stream.indirect_vreg.gather [hbm4b:s6+s3], $0x80, v4, vm0, $0xb8;
	[tilespmem:$0x18200] =	vst v63  }
0x349: {  	s14 =	simm.s32 $0x16A00  }
0x34a: {  	[tilespmem:s14], [sflag:$0x9] =	stream.indirect_vreg.gather [hbm4b:s2+s3], $0x80, v3, vm0, $0xb8;
	[tilespmem:$0x18200] =	vst v63  }
0x34b: {  	s17 =	simm.s32 $0x17200  }
0x34c: {  	[tilespmem:s17], [sflag:$0x9] =	stream.indirect_vreg.gather [hbm4b:s5+s3], $0x80, v3, vm0, $0xb8;
	[tilespmem:$0x18200] =	vst v63  }
0x34d: {  	s18 =	simm.s32 $0x17A00  }
0x34e: {  	[tilespmem:s18], [sflag:$0x9] =	stream.indirect_vreg.gather [hbm4b:s6+s3], $0x80, v3, vm0, $0xb8;
	[tilespmem:$0x18200] =	vst v63  }
0x34f: {  	_ =	swait.ge [sflag:s20], $0x3000  }
0x350: {  	s21 =	sld [smem:$0x7FA]  }
0x351: {  	[sflag:s20] =	ssyncset.done $0x0  }
0x352: {  	[sflag:s20] =	ssyncadd.s32 $0xFFFFD000  }
0x353: {  	[hbm4b:s21+s3] =	stream.linear.scatter [tilespmem:s9], [sflag:$0xE], $0x3000, $0x38;
	[tilespmem:$0x18200] =	vst v63  }
0x354: {  	_ =	swait.ge [sflag:s22], $0x3000  }
0x355: {  	[sflag:s22] =	ssyncset.done $0x0  }
0x356: {  	[sflag:s22] =	ssyncadd.s32 $0xFFFFD000  }
0x357: {  	_ =	swait.ge [sflag:s23], $0x3000  }
0x358: {  	s25 =	sld [smem:$0x7FB]  }
0x359: {  	[sflag:s23] =	ssyncset.done $0x0  }
0x35a: {  	[sflag:s23] =	ssyncadd.s32 $0xFFFFD000  }
0x35b: {  	[hbm4b:s25+s3] =	stream.linear.scatter [tilespmem:s28], [sflag:$0xF], $0x3000, $0x38;
	[tilespmem:$0x18200] =	vst v63  }
0x35c: {  	_ =	swait.ge [sflag:s26], $0x3000  }
0x35d: {  	[sflag:s26] =	ssyncset.done $0x0  }
0x35e: {  	[sflag:s26] =	ssyncadd.s32 $0xFFFFD000  }
0x35f: {  	_ =	swait.ge [sflag:s29], $0x3000  }
0x360: {  	s28 =	sld [smem:$0x7FC]  }
0x361: {  	[sflag:s29] =	ssyncset.done $0x0  }
0x362: {  	[sflag:s29] =	ssyncadd.s32 $0xFFFFD000  }
0x363: {  	[hbm4b:s28+s3] =	stream.linear.scatter [tilespmem:s10], [sflag:$0x10], $0x3000, $0x38;
	[tilespmem:$0x18200] =	vst v63  }
0x364: {  	_ =	swait.ge [sflag:s30], $0x3000  }
0x365: {  	[sflag:s30] =	ssyncset.done $0x0  }
0x366: {  	[sflag:s30] =	ssyncadd.s32 $0xFFFFD000  }
0x367: {  	_ =	swait.ge [sflag:s31], $0x3000  }
0x368: {  	s30 =	sld [smem:$0x7FD]  }
0x369: {  	[sflag:s31] =	ssyncset.done $0x0  }
0x36a: {  	[sflag:s31] =	ssyncadd.s32 $0xFFFFD000  }
0x36b: {  	[hbm4b:s30+s3] =	stream.linear.scatter [tilespmem:s8], [sflag:$0x11], $0x3000, $0x38;
	[tilespmem:$0x18200] =	vst v63  }
0x36c: {  	_ =	swait.ge [sflag:s1], $0x3000  }
0x36d: {  	[sflag:s1] =	ssyncset.done $0x0  }
0x36e: {  	[sflag:s1] =	ssyncadd.s32 $0xFFFFD000  }
0x36f: {  	_ =	swait.ge [sflag:s15], $0x3000  }
0x370: {  	[sflag:s15] =	ssyncset.done $0x0  }
0x371: {  	[sflag:s15] =	ssyncadd.s32 $0xFFFFD000  }
0x372: {  	_ =	swait.ge [sflag:s12], $0x3000  }
0x373: {  	[sflag:s12] =	ssyncset.done $0x0  }
0x374: {  	[sflag:s12] =	ssyncadd.s32 $0xFFFFD000  }
0x375: {  	p0 =	sne.s32 s0, $0x1;
	_ =	swait.ge [sflag:s13], $0x3000  }
.Ltmp0:
0x376: {  	[sflag:s13] =	ssyncset.done $0x0;
	(pc) =	sbr.rel @p0 .LBB2_1-.Ltmp0, $4  }
0x377: {  	[sflag:s13] =	ssyncadd.s32 $0xFFFFD000  }
0x378: {  	_ =	swait.ge [sflag:s7], $0x3000  }
0x379: {  	[sflag:s7] =	ssyncset.done $0x0  }
0x37a: {  	s0 =	sadd.s32 $0xFFFFFFFF, s0;
	[sflag:s7] =	ssyncadd.s32 $0xFFFFD000  }
0x37b: {  	_ =	sfence.sel $0x180000  }
0x37c: {  	[bflag:$0x0] =	sbarrier.arrive $0xFFFF  }
0x37d: {  	_ =	strace $0x90000047  }
0x37e: {  	s0 =	stileid.u32;
	[bflag:$0x2] =	sbarrier.arrive $0xFFFF  }
0x37f: {  	p0 =	sne.s32 s0, $0x0;
	s0 =	rddreg [dreg:$0x3]  }
0x380: {  	s0 =	sadd.s32 @!p0 $0x100000, s0  }
0x381: {  	[sflag:s0] =	ssyncadd.tile.s32 @!p0 $0x1;
	_ =	shalt  }
.Lfunc_end2:
_tile_overlayer_lowered:
.L_overlay_start_2:
0x382: {  	(tag) =	ssettag $0x2  }
0x383: {  	s0 =	rddreg [dreg:$0x0];
	s2 =	stileid.u32  }
0x384: {  	s1 =	rddreg [dreg:$0x1];
	p0 =	sne.s32 s2, $0x0  }
0x385: {  	s3 =	rddreg [dreg:$0x2];
	[bflag:$0x3] =	sbarrier.arrive $0xFFFF;
	s2 =	simm.s32 @!p0 $0x1C12  }
0x386: {  	[timem:s3], [sflag:s2] =	dma.local @!p0 [hbm:s0], s1  }
0x387: {  	s0 =	simm.s32 @!p0 $0x12  }
0x388: {  	_ =	swait.ge @!p0 [sflag:s0], s1  }
0x389: {  	s1 =	ssub.s32 @!p0 $0x0, s1;
	[sflag:s0] =	ssyncset.done @!p0 $0x0  }
0x38a: {  	[sflag:s0] =	ssyncadd.s32 @!p0 s1  }
0x38b: {  	[bflag:$0x3] =	sbarrier.arrive $0xFFFF  }
0x38c: {  	_ =	shalt  }

</sc_bundles>
